<compile_context>
chip_gen: v7x
topology: tpu7x:2x2x1
jax: 0.10.2.dev20260603
libtpu: 0.0.44.dev20260713+nightly
codegen_flags: <defaults>
</compile_context>

<pallas_src>
import dataclasses

import jax
import jax.numpy as jnp
from jax.experimental import pallas as pl
from jax.experimental.pallas import tpu as pltpu
from jax.experimental.pallas import tpu_sc as plsc

_B, _NS, _NO = 4, 10475, 2048
_THRESHOLD = 0.1
_BIG = 1e30
_BS = 704
_NSP = 11264


def _compact_kernel(s4t_hbm, o4t_hbm, z_hbm, souts_hbm, oouts_hbm, cnt_hbm,
                    sinbuf, soutbuf, cntbuf, sem):
    c = jax.lax.axis_index("core")
    s = jax.lax.axis_index("subcore")
    tile = c * 16 + s

    @pl.when(tile < _B)
    def _():
        b = tile
        pltpu.async_copy(s4t_hbm.at[b], sinbuf.at[pl.ds(0, 4 * _NSP)],
                         sem).wait()
        pltpu.async_copy(z_hbm.at[pl.ds(0, 4 * _NSP)],
                         soutbuf.at[pl.ds(0, 4 * _NSP)], sem).wait()

        def chunk(i, cnt):
            w = sinbuf[pl.ds(3 * _NSP + i * 16, 16)]
            mask = w > _THRESHOLD
            mi = mask.astype(jnp.int32)
            pos = cnt + plsc.cumsum(mi) - 1
            pos = jnp.where(mask, pos, 0)
            base4 = pos * 4
            for coord in range(4):
                plsc.store_scatter(
                    soutbuf, [base4 + coord],
                    sinbuf[pl.ds(coord * _NSP + i * 16, 16)], mask=mask)
            return cnt + jnp.sum(mi)

        cnt = plsc.parallel_loop(0, _NSP // 16, carry=jnp.int32(0),
                                 unroll=4)(chunk)
        cntbuf[...] = jnp.full((16,), cnt, jnp.int32)
        pltpu.async_copy(soutbuf.at[pl.ds(0, 4 * _NSP)], souts_hbm.at[b],
                         sem).wait()
        pltpu.async_copy(cntbuf, cnt_hbm.at[b, 0], sem).wait()

    @pl.when(jnp.logical_and(tile >= _B, tile < 2 * _B))
    def _():
        b = tile - _B
        pltpu.async_copy(o4t_hbm.at[b], sinbuf.at[pl.ds(0, 4 * _NO)],
                         sem).wait()
        pltpu.async_copy(z_hbm.at[pl.ds(0, 4 * _NO)],
                         soutbuf.at[pl.ds(0, 4 * _NO)], sem).wait()

        def chunk(i, cnt):
            w = sinbuf[pl.ds(3 * _NO + i * 16, 16)]
            mask = w > _THRESHOLD
            mi = mask.astype(jnp.int32)
            pos = cnt + plsc.cumsum(mi) - 1
            pos = jnp.where(mask, pos, 0)
            for coord in range(4):
                plsc.store_scatter(
                    soutbuf, [pos + coord * _NO],
                    sinbuf[pl.ds(coord * _NO + i * 16, 16)], mask=mask)
            return cnt + jnp.sum(mi)

        cnt = plsc.parallel_loop(0, _NO // 16, carry=jnp.int32(0),
                                 unroll=4)(chunk)
        cntbuf[...] = jnp.full((16,), cnt, jnp.int32)
        pltpu.async_copy(soutbuf.at[pl.ds(0, 4 * _NO)], oouts_hbm.at[b],
                         sem).wait()
        pltpu.async_copy(cntbuf, cnt_hbm.at[b, 1], sem).wait()


def _sc_compact(s4t, o4t, zeros4):
    mesh = plsc.VectorSubcoreMesh(core_axis_name="core",
                                  subcore_axis_name="subcore")
    cp = pltpu.CompilerParams()
    if "needs_layout_passes" in pltpu.CompilerParams.__dataclass_fields__:
        cp = dataclasses.replace(cp, needs_layout_passes=False)
    return pl.kernel(
        _compact_kernel,
        out_type=[
            jax.ShapeDtypeStruct((_B, _NSP * 4), jnp.float32),
            jax.ShapeDtypeStruct((_B, _NO * 4), jnp.float32),
            jax.ShapeDtypeStruct((_B, 2, 16), jnp.int32),
        ],
        mesh=mesh,
        scratch_types=[
            pltpu.VMEM((4 * _NSP,), jnp.float32),
            pltpu.VMEM((4 * _NSP,), jnp.float32),
            pltpu.VMEM((16,), jnp.int32),
            pltpu.SemaphoreType.DMA,
        ],
        compiler_params=cp,
    )(s4t, o4t, zeros4)


def _cl_kernel(cnt_ref, s_ref, o_ref, loss_ref, valid_ref):
    b = pl.program_id(0)
    ns_c = cnt_ref[b, 0, 0]
    no_c = cnt_ref[b, 1, 0]

    ox = o_ref[0, 0:1, :]
    oy = o_ref[0, 1:2, :]
    oz = o_ref[0, 2:3, :]
    om_full = o_ref[0, 3:4, :]
    omask = om_full > _THRESHOLD
    o2 = ox * ox + oy * oy + oz * oz
    oxm2 = -2.0 * ox.astype(jnp.bfloat16).astype(jnp.float32)
    oym2 = -2.0 * oy.astype(jnp.bfloat16).astype(jnp.float32)
    ozm2 = -2.0 * oz.astype(jnp.bfloat16).astype(jnp.float32)
    om2m = jnp.where(omask, om_full * om_full, _BIG)

    def row_body(i, carry):
        hvec, oacc = carry
        rbase = i * _BS
        sc = s_ref[0, pl.ds(rbase, _BS), :]
        sx = sc[:, 0:1]
        sy = sc[:, 1:2]
        sz = sc[:, 2:3]
        sm = sc[:, 3:4]
        s2 = sx * sx + sy * sy + sz * sz
        rows = jax.lax.broadcasted_iota(jnp.int32, (_BS, 1), 0) + rbase
        rvalid = rows < ns_c
        sm2m = jnp.where(rvalid, sm * sm, _BIG)
        smw = jnp.where(rvalid, sm, 0.0)
        sxb = sx.astype(jnp.bfloat16).astype(jnp.float32)
        syb = sy.astype(jnp.bfloat16).astype(jnp.float32)
        szb = sz.astype(jnp.bfloat16).astype(jnp.float32)
        t = (((s2 + o2) + sxb * oxm2) + syb * oym2) + szb * ozm2
        d2 = jnp.maximum(t, 1e-12)
        v1 = d2 * om2m
        rmin = jnp.min(v1, axis=1, keepdims=True)
        hvec = hvec + smw * jnp.sqrt(rmin)
        v2 = d2 * sm2m
        oacc = jnp.minimum(oacc, jnp.min(v2, axis=0, keepdims=True))
        return hvec, oacc

    nrow = (ns_c + _BS - 1) // _BS
    init = (jnp.zeros((_BS, 1), jnp.float32),
            jnp.full((1, _NO), _BIG, jnp.float32))
    hvec, oacc = jax.lax.fori_loop(0, nrow, row_body, init)
    hsum = jnp.sum(hvec)
    ns = ns_c.astype(jnp.float32)
    no = no_c.astype(jnp.float32)

    osum = jnp.sum(jnp.where(omask, om_full * jnp.sqrt(oacc), 0.0))
    h2o_mean = hsum / jnp.maximum(ns, 1.0)
    o2h_mean = osum / jnp.maximum(no, 1.0)
    valid_b = jnp.logical_and(ns > 0, no > 0)
    contrib = jnp.where(valid_b, h2o_mean + o2h_mean, 0.0)

    loss_ref[...] = contrib.reshape(1, 1, 1)
    valid_ref[...] = valid_b.astype(jnp.float32).reshape(1, 1, 1)


def kernel(smplx_v, object_v, smpl_occlusion_maps, object_occlusion_maps,
           smpl_mean_occlusion_map, object_mean_occlusion_map):
    sm = smpl_occlusion_maps * smpl_mean_occlusion_map[None, :]
    om = object_occlusion_maps * object_mean_occlusion_map[None, :]

    s_all = jnp.concatenate([smplx_v, sm[:, :, None]], axis=2)
    s_all = jnp.pad(s_all, ((0, 0), (0, _NSP - _NS), (0, 0)))
    s4t = s_all.transpose(0, 2, 1).reshape(_B, 4 * _NSP)

    o4t = jnp.concatenate(
        [object_v.transpose(0, 2, 1), om[:, None, :]], axis=1)
    o4t = o4t.reshape(_B, 4 * _NO)

    zeros4 = jnp.zeros((_NSP * 4,), jnp.float32)

    s_comp, o_comp, counts = _sc_compact(s4t, o4t, zeros4)
    s_comp = s_comp.reshape(_B, _NSP, 4)
    o_comp = o_comp.reshape(_B, 4, _NO)

    loss, valid = pl.pallas_call(
        _cl_kernel,
        grid=(_B,),
        in_specs=[
            pl.BlockSpec(memory_space=pltpu.SMEM),
            pl.BlockSpec((1, _NSP, 4), lambda b: (b, 0, 0)),
            pl.BlockSpec((1, 4, _NO), lambda b: (b, 0, 0)),
        ],
        out_specs=[
            pl.BlockSpec((1, 1, 1), lambda b: (b, 0, 0)),
            pl.BlockSpec((1, 1, 1), lambda b: (b, 0, 0)),
        ],
        out_shape=[
            jax.ShapeDtypeStruct((_B, 1, 1), jnp.float32),
            jax.ShapeDtypeStruct((_B, 1, 1), jnp.float32),
        ],
    )(counts, s_comp, o_comp)

    total = jnp.sum(loss)
    count = jnp.sum(valid)
    return jnp.where(count > 0, total / jnp.maximum(count, 1.0), total)

# --- scband reference (transcript-rebuilt; emitter-appended) ---
"""Pipeline reference for scband-contact-loss-61830349193771 (READ-ONLY COPY).

The authoritative reference and input builder live on the scoring server;
editing this copy changes nothing except your own understanding.
"""

import jax, jax.numpy as jnp
import numpy as np

B, NS, NO = 4, 10475, 2048
THRESHOLD = 0.1
BIG = 1e30


def setup_inputs(seed: int = 0):
    key = jax.random.key(seed)
    ks = jax.random.split(key, 6)
    return {
        "smplx_v": jax.random.normal(ks[0], (B, NS, 3), dtype=jnp.float32),
        "object_v": jax.random.normal(ks[1], (B, NO, 3), dtype=jnp.float32),
        "smpl_occlusion_maps": jax.random.uniform(ks[2], (B, NS), dtype=jnp.float32),
        "object_occlusion_maps": jax.random.uniform(ks[3], (B, NO), dtype=jnp.float32),
        "smpl_mean_occlusion_map": jax.random.uniform(ks[4], (NS,), dtype=jnp.float32),
        "object_mean_occlusion_map": jax.random.uniform(ks[5], (NO,), dtype=jnp.float32),
    }


def _pairwise_dist(a, b):
    # ||a_i - b_j|| computed via expansion (same math as sqrt(((a-b)**2).sum(-1)))
    a2 = jnp.sum(a * a, axis=-1)[:, None]
    b2 = jnp.sum(b * b, axis=-1)[None, :]
    d2 = a2 + b2 - 2.0 * (a @ b.T)
    return jnp.sqrt(jnp.maximum(d2, 1e-12))


def _forward(smplx_v, object_v, smpl_occ, obj_occ, smpl_mean, obj_mean):
    smpl_maps = smpl_occ * smpl_mean[None, :]
    obj_maps = obj_occ * obj_mean[None, :]
    total = jnp.zeros((), dtype=jnp.float32)
    count = jnp.zeros((), dtype=jnp.float32)
    for b in range(B):
        sm = smpl_maps[b]
        om = obj_maps[b]
        s_mask = sm > THRESHOLD
        o_mask = om > THRESHOLD
        dist = _pairwise_dist(smplx_v[b], object_v[b])
        w = sm[:, None] * om[None, :]
        d = dist * w
        pm = jnp.logical_and(s_mask[:, None], o_mask[None, :])
        dm = jnp.where(pm, d, BIG)
        ns = jnp.sum(s_mask)
        no = jnp.sum(o_mask)
        h2o = jnp.min(dm, axis=1)
        o2h = jnp.min(dm, axis=0)
        h2o_mean = jnp.sum(jnp.where(s_mask, h2o, 0.0)) / jnp.maximum(ns, 1)
        o2h_mean = jnp.sum(jnp.where(o_mask, o2h, 0.0)) / jnp.maximum(no, 1)
        valid = jnp.logical_and(ns > 0, no > 0)
        total = total + jnp.where(valid, h2o_mean + o2h_mean, 0.0)
        count = count + valid.astype(jnp.float32)
    return jnp.where(count > 0, total / jnp.maximum(count, 1.0), total)


def reference(smplx_v, object_v, smpl_occlusion_maps, object_occlusion_maps, smpl_mean_occlusion_map, object_mean_occlusion_map):
    return _forward(smplx_v, object_v, smpl_occlusion_maps, object_occlusion_maps,
                    smpl_mean_occlusion_map, object_mean_occlusion_map)

if __name__ == "__main__":
    import jax
    _d = setup_inputs()
    print(jax.jit(kernel)(*tuple(_d.values())))

</pallas_src>

<mosaic_0001>
#map = affine_map<(d0, d1) -> (0, 0)>
#map1 = affine_map<(d0, d1) -> (0)>
#map2 = affine_map<(d0, d1) -> (0, 0, 0)>
module attributes {stable_mosaic.version = 14 : i64} {
  func.func @_compact_kernel(%arg0: i32, %arg1: i32, %arg2: memref<4x45056xf32, #tpu.memory_space<hbm>>, %arg3: memref<4x8192xf32, #tpu.memory_space<hbm>>, %arg4: memref<45056xf32, #tpu.memory_space<hbm>>, %arg5: memref<4x45056xf32, #tpu.memory_space<hbm>>, %arg6: memref<4x8192xf32, #tpu.memory_space<hbm>>, %arg7: memref<4x2x16xi32, #tpu.memory_space<hbm>>, %arg8: memref<45056xf32, #tpu.memory_space<vmem>>, %arg9: memref<45056xf32, #tpu.memory_space<vmem>>, %arg10: memref<16xi32, #tpu.memory_space<vmem>>, %arg11: memref<!tpu.dma_semaphore, #tpu.memory_space<semaphore_mem>>) attributes {dimension_semantics = [#tpu.dimension_semantics<core_parallel>, #tpu.dimension_semantics<subcore_parallel>], iteration_bounds = array<i64: 2, 16>, scalar_prefetch = 0 : i64, scratch_operands = 4 : i64, tpu.core_type = #tpu.core_type<sc_vector_subcore>, window_params = [{transform_indices = #map}, {transform_indices = #map}, {transform_indices = #map1}, {transform_indices = #map}, {transform_indices = #map}, {transform_indices = #map2}]} {
    %mul3A = arith.constant 16 : i32
    %mul3A_0 = arith.muli %arg0, %mul3A : i32
    %add3A = arith.addi %mul3A_0, %arg1 : i32
    %lt3A = arith.constant 4 : i32
    %lt3A_1 = arith.cmpi slt, %add3A, %lt3A : i32
    %convert_element_type3A = arith.extui %lt3A_1 : i1 to i32
    %cond3A = arith.constant 0 : i32
    %cond3A_2 = arith.cmpi ne, %convert_element_type3A, %cond3A : i32
    scf.if %cond3A_2 {
      %dma_start3A = arith.constant 0 : i32
      %dma_start3A_9 = tpu.memref_slice %arg8[%dma_start3A] : memref<45056xf32, #tpu.memory_space<vmem>> -> memref<45056xf32, #tpu.memory_space<vmem>>
      %dma_start3A_10 = arith.constant 0 : i32
      %dma_start3A_11 = tpu.memref_slice %arg2[%add3A, %dma_start3A_10] : memref<4x45056xf32, #tpu.memory_space<hbm>> -> memref<1x45056xf32, #tpu.memory_space<hbm>>
      %dma_start3A_12 = tpu.memref_squeeze %dma_start3A_11 : memref<1x45056xf32, #tpu.memory_space<hbm>> -> memref<45056xf32, #tpu.memory_space<hbm>>
      %dma_start3A_13 = arith.constant 0 : i32
      %dma_start3A_14 = tpu.memref_slice %arg8[%dma_start3A_13] : memref<45056xf32, #tpu.memory_space<vmem>> -> memref<45056xf32, #tpu.memory_space<vmem>>
      %dma_start3A_15 = arith.constant 0 : i32
      %dma_start3A_16 = tpu.memref_slice %arg2[%add3A, %dma_start3A_15] : memref<4x45056xf32, #tpu.memory_space<hbm>> -> memref<1x45056xf32, #tpu.memory_space<hbm>>
      %dma_start3A_17 = tpu.memref_squeeze %dma_start3A_16 : memref<1x45056xf32, #tpu.memory_space<hbm>> -> memref<45056xf32, #tpu.memory_space<hbm>>
      tpu.enqueue_dma source(%dma_start3A_17 : memref<45056xf32, #tpu.memory_space<hbm>>) target(%dma_start3A_14 : memref<45056xf32, #tpu.memory_space<vmem>>) target_semaphore(%arg11 : memref<!tpu.dma_semaphore, #tpu.memory_space<semaphore_mem>>)
      %dma_wait3A = arith.constant 0 : i32
      %dma_wait3A_18 = tpu.memref_slice %arg8[%dma_wait3A] : memref<45056xf32, #tpu.memory_space<vmem>> -> memref<45056xf32, #tpu.memory_space<vmem>>
      %dma_wait3A_19 = arith.constant 0 : i32
      %dma_wait3A_20 = tpu.memref_slice %arg2[%add3A, %dma_wait3A_19] : memref<4x45056xf32, #tpu.memory_space<hbm>> -> memref<1x45056xf32, #tpu.memory_space<hbm>>
      %dma_wait3A_21 = tpu.memref_squeeze %dma_wait3A_20 : memref<1x45056xf32, #tpu.memory_space<hbm>> -> memref<45056xf32, #tpu.memory_space<hbm>>
      %dma_wait3A_22 = arith.constant 0 : i32
      %dma_wait3A_23 = tpu.memref_slice %arg8[%dma_wait3A_22] : memref<45056xf32, #tpu.memory_space<vmem>> -> memref<45056xf32, #tpu.memory_space<vmem>>
      %dma_wait3A_24 = arith.constant 0 : i32
      %dma_wait3A_25 = tpu.memref_slice %arg2[%add3A, %dma_wait3A_24] : memref<4x45056xf32, #tpu.memory_space<hbm>> -> memref<1x45056xf32, #tpu.memory_space<hbm>>
      %dma_wait3A_26 = tpu.memref_squeeze %dma_wait3A_25 : memref<1x45056xf32, #tpu.memory_space<hbm>> -> memref<45056xf32, #tpu.memory_space<hbm>>
      tpu.wait_dma2 semaphore(%arg11 : memref<!tpu.dma_semaphore, #tpu.memory_space<semaphore_mem>>) src(%dma_wait3A_26 : memref<45056xf32, #tpu.memory_space<hbm>>) dst(%dma_wait3A_23 : memref<45056xf32, #tpu.memory_space<vmem>>)
      %dma_start3A_27 = arith.constant 0 : i32
      %dma_start3A_28 = tpu.memref_slice %arg9[%dma_start3A_27] : memref<45056xf32, #tpu.memory_space<vmem>> -> memref<45056xf32, #tpu.memory_space<vmem>>
      %dma_start3A_29 = arith.constant 0 : i32
      %dma_start3A_30 = tpu.memref_slice %arg4[%dma_start3A_29] : memref<45056xf32, #tpu.memory_space<hbm>> -> memref<45056xf32, #tpu.memory_space<hbm>>
      %dma_start3A_31 = arith.constant 0 : i32
      %dma_start3A_32 = tpu.memref_slice %arg9[%dma_start3A_31] : memref<45056xf32, #tpu.memory_space<vmem>> -> memref<45056xf32, #tpu.memory_space<vmem>>
      %dma_start3A_33 = arith.constant 0 : i32
      %dma_start3A_34 = tpu.memref_slice %arg4[%dma_start3A_33] : memref<45056xf32, #tpu.memory_space<hbm>> -> memref<45056xf32, #tpu.memory_space<hbm>>
      tpu.enqueue_dma source(%dma_start3A_34 : memref<45056xf32, #tpu.memory_space<hbm>>) target(%dma_start3A_32 : memref<45056xf32, #tpu.memory_space<vmem>>) target_semaphore(%arg11 : memref<!tpu.dma_semaphore, #tpu.memory_space<semaphore_mem>>)
      %dma_wait3A_35 = arith.constant 0 : i32
      %dma_wait3A_36 = tpu.memref_slice %arg9[%dma_wait3A_35] : memref<45056xf32, #tpu.memory_space<vmem>> -> memref<45056xf32, #tpu.memory_space<vmem>>
      %dma_wait3A_37 = arith.constant 0 : i32
      %dma_wait3A_38 = tpu.memref_slice %arg4[%dma_wait3A_37] : memref<45056xf32, #tpu.memory_space<hbm>> -> memref<45056xf32, #tpu.memory_space<hbm>>
      %dma_wait3A_39 = arith.constant 0 : i32
      %dma_wait3A_40 = tpu.memref_slice %arg9[%dma_wait3A_39] : memref<45056xf32, #tpu.memory_space<vmem>> -> memref<45056xf32, #tpu.memory_space<vmem>>
      %dma_wait3A_41 = arith.constant 0 : i32
      %dma_wait3A_42 = tpu.memref_slice %arg4[%dma_wait3A_41] : memref<45056xf32, #tpu.memory_space<hbm>> -> memref<45056xf32, #tpu.memory_space<hbm>>
      tpu.wait_dma2 semaphore(%arg11 : memref<!tpu.dma_semaphore, #tpu.memory_space<semaphore_mem>>) src(%dma_wait3A_42 : memref<45056xf32, #tpu.memory_space<hbm>>) dst(%dma_wait3A_40 : memref<45056xf32, #tpu.memory_space<vmem>>)
      %parallel_loop3A = arith.constant 0 : i32
      %parallel_loop3A_43 = arith.constant 704 : i32
      %parallel_loop3A_44 = arith.constant 1 : i32
      %parallel_loop3A_45 = arith.constant 0 : i32
      %parallel_loop3A_46 = scf.for %parallel_loop3A_82 = %parallel_loop3A to %parallel_loop3A_43 step %parallel_loop3A_44 iter_args(%parallel_loop3A_83 = %parallel_loop3A_45) -> (i32)  : i32 {
        %parallel_loop3A_84 = arith.constant 16 : i32
        %parallel_loop3A_85 = arith.muli %parallel_loop3A_82, %parallel_loop3A_84 : i32
        %parallel_loop3A_86 = arith.constant 33792 : i32
        %parallel_loop3A_87 = arith.addi %parallel_loop3A_86, %parallel_loop3A_85 : i32
        %parallel_loop3A_88 = arith.index_cast %parallel_loop3A_87 : i32 to index
        %parallel_loop3A_89 = tpu.vector_load %arg8[%parallel_loop3A_88] {strides = array<i32>} : memref<45056xf32, #tpu.memory_space<vmem>>, vector<16xf32>,
        %parallel_loop3A_90 = arith.constant 1.000000e-01 : f32
        %parallel_loop3A_91 = vector.broadcast %parallel_loop3A_90 : f32 to vector<16xf32>
        %parallel_loop3A_92 = arith.cmpf ogt, %parallel_loop3A_89, %parallel_loop3A_91 : vector<16xf32>
        %parallel_loop3A_93 = arith.extui %parallel_loop3A_92 : vector<16xi1> to vector<16xi32>
        %parallel_loop3A_94 = arith.constant true
        %parallel_loop3A_95 = vector.broadcast %parallel_loop3A_94 : i1 to vector<16xi1>
        %parallel_loop3A_96 = tpu.scan <sum>, %parallel_loop3A_93 masked %parallel_loop3A_95 : vector<16xi32>, vector<16xi1> -> vector<16xi32>
        %parallel_loop3A_97 = vector.broadcast %parallel_loop3A_83 : i32 to vector<16xi32>
        %parallel_loop3A_98 = arith.addi %parallel_loop3A_97, %parallel_loop3A_96 : vector<16xi32>
        %parallel_loop3A_99 = arith.constant 1 : i32
        %parallel_loop3A_100 = vector.broadcast %parallel_loop3A_99 : i32 to vector<16xi32>
        %parallel_loop3A_101 = arith.subi %parallel_loop3A_98, %parallel_loop3A_100 : vector<16xi32>
        %parallel_loop3A_102 = arith.constant 0 : i32
        %parallel_loop3A_103 = vector.broadcast %parallel_loop3A_102 : i32 to vector<16xi32>
        %parallel_loop3A_104 = arith.select %parallel_loop3A_92, %parallel_loop3A_101, %parallel_loop3A_103 : vector<16xi1>, vector<16xi32>
        %parallel_loop3A_105 = arith.constant 4 : i32
        %parallel_loop3A_106 = vector.broadcast %parallel_loop3A_105 : i32 to vector<16xi32>
        %parallel_loop3A_107 = arith.muli %parallel_loop3A_104, %parallel_loop3A_106 : vector<16xi32>
        %parallel_loop3A_108 = arith.constant 0 : i32
        %parallel_loop3A_109 = vector.broadcast %parallel_loop3A_108 : i32 to vector<16xi32>
        %parallel_loop3A_110 = arith.addi %parallel_loop3A_107, %parallel_loop3A_109 : vector<16xi32>
        %parallel_loop3A_111 = arith.constant 16 : i32
        %parallel_loop3A_112 = arith.muli %parallel_loop3A_82, %parallel_loop3A_111 : i32
        %parallel_loop3A_113 = arith.constant 0 : i32
        %parallel_loop3A_114 = arith.addi %parallel_loop3A_113, %parallel_loop3A_112 : i32
        %parallel_loop3A_115 = arith.index_cast %parallel_loop3A_114 : i32 to index
        %parallel_loop3A_116 = tpu.vector_load %arg8[%parallel_loop3A_115] {strides = array<i32>} : memref<45056xf32, #tpu.memory_space<vmem>>, vector<16xf32>,
        tpu.vector_store_idx %arg9[%parallel_loop3A_110], %parallel_loop3A_116 masked %parallel_loop3A_92 : memref<45056xf32, #tpu.memory_space<vmem>>[vector<16xi32>], vector<16xf32>, vector<16xi1>
        %parallel_loop3A_117 = arith.constant 1 : i32
        %parallel_loop3A_118 = vector.broadcast %parallel_loop3A_117 : i32 to vector<16xi32>
        %parallel_loop3A_119 = arith.addi %parallel_loop3A_107, %parallel_loop3A_118 : vector<16xi32>
        %parallel_loop3A_120 = arith.constant 16 : i32
        %parallel_loop3A_121 = arith.muli %parallel_loop3A_82, %parallel_loop3A_120 : i32
        %parallel_loop3A_122 = arith.constant 11264 : i32
        %parallel_loop3A_123 = arith.addi %parallel_loop3A_122, %parallel_loop3A_121 : i32
        %parallel_loop3A_124 = arith.index_cast %parallel_loop3A_123 : i32 to index
        %parallel_loop3A_125 = tpu.vector_load %arg8[%parallel_loop3A_124] {strides = array<i32>} : memref<45056xf32, #tpu.memory_space<vmem>>, vector<16xf32>,
        tpu.vector_store_idx %arg9[%parallel_loop3A_119], %parallel_loop3A_125 masked %parallel_loop3A_92 : memref<45056xf32, #tpu.memory_space<vmem>>[vector<16xi32>], vector<16xf32>, vector<16xi1>
        %parallel_loop3A_126 = arith.constant 2 : i32
        %parallel_loop3A_127 = vector.broadcast %parallel_loop3A_126 : i32 to vector<16xi32>
        %parallel_loop3A_128 = arith.addi %parallel_loop3A_107, %parallel_loop3A_127 : vector<16xi32>
        %parallel_loop3A_129 = arith.constant 16 : i32
        %parallel_loop3A_130 = arith.muli %parallel_loop3A_82, %parallel_loop3A_129 : i32
        %parallel_loop3A_131 = arith.constant 22528 : i32
        %parallel_loop3A_132 = arith.addi %parallel_loop3A_131, %parallel_loop3A_130 : i32
        %parallel_loop3A_133 = arith.index_cast %parallel_loop3A_132 : i32 to index
        %parallel_loop3A_134 = tpu.vector_load %arg8[%parallel_loop3A_133] {strides = array<i32>} : memref<45056xf32, #tpu.memory_space<vmem>>, vector<16xf32>,
        tpu.vector_store_idx %arg9[%parallel_loop3A_128], %parallel_loop3A_134 masked %parallel_loop3A_92 : memref<45056xf32, #tpu.memory_space<vmem>>[vector<16xi32>], vector<16xf32>, vector<16xi1>
        %parallel_loop3A_135 = arith.constant 3 : i32
        %parallel_loop3A_136 = vector.broadcast %parallel_loop3A_135 : i32 to vector<16xi32>
        %parallel_loop3A_137 = arith.addi %parallel_loop3A_107, %parallel_loop3A_136 : vector<16xi32>
        %parallel_loop3A_138 = arith.constant 16 : i32
        %parallel_loop3A_139 = arith.muli %parallel_loop3A_82, %parallel_loop3A_138 : i32
        %parallel_loop3A_140 = arith.constant 33792 : i32
        %parallel_loop3A_141 = arith.addi %parallel_loop3A_140, %parallel_loop3A_139 : i32
        %parallel_loop3A_142 = arith.index_cast %parallel_loop3A_141 : i32 to index
        %parallel_loop3A_143 = tpu.vector_load %arg8[%parallel_loop3A_142] {strides = array<i32>} : memref<45056xf32, #tpu.memory_space<vmem>>, vector<16xf32>,
        tpu.vector_store_idx %arg9[%parallel_loop3A_137], %parallel_loop3A_143 masked %parallel_loop3A_92 : memref<45056xf32, #tpu.memory_space<vmem>>[vector<16xi32>], vector<16xf32>, vector<16xi1>
        %parallel_loop3A_144 = arith.constant true
        %parallel_loop3A_145 = vector.broadcast %parallel_loop3A_144 : i1 to vector<16xi1>
        %parallel_loop3A_146 = tpu.scan <sum>, %parallel_loop3A_93 masked %parallel_loop3A_145 : vector<16xi32>, vector<16xi1> -> vector<16xi32>
        %parallel_loop3A_147 = vector.extract %parallel_loop3A_146[15] : i32 from vector<16xi32>
        %parallel_loop3A_148 = arith.addi %parallel_loop3A_83, %parallel_loop3A_147 : i32
        scf.yield %parallel_loop3A_148 : i32
      } {sc.loop_unroll_factor = 4 : i64, sc.parallel_access}
      %broadcast_in_dim3A = vector.broadcast %parallel_loop3A_46 : i32 to vector<16xi32>
      %swap3A = arith.constant 0 : index
      %swap3A_47 = tpu.vector_load %arg10[%swap3A] {strides = array<i32>} : memref<16xi32, #tpu.memory_space<vmem>>, vector<16xi32>,
      tpu.vector_store %arg10[%swap3A], %broadcast_in_dim3A {strides = array<i32>} : memref<16xi32, #tpu.memory_space<vmem>>, vector<16xi32>,
      %dma_start3A_48 = arith.constant 0 : i32
      %dma_start3A_49 = tpu.memref_slice %arg9[%dma_start3A_48] : memref<45056xf32, #tpu.memory_space<vmem>> -> memref<45056xf32, #tpu.memory_space<vmem>>
      %dma_start3A_50 = arith.constant 0 : i32
      %dma_start3A_51 = tpu.memref_slice %arg5[%add3A, %dma_start3A_50] : memref<4x45056xf32, #tpu.memory_space<hbm>> -> memref<1x45056xf32, #tpu.memory_space<hbm>>
      %dma_start3A_52 = tpu.memref_squeeze %dma_start3A_51 : memref<1x45056xf32, #tpu.memory_space<hbm>> -> memref<45056xf32, #tpu.memory_space<hbm>>
      %dma_start3A_53 = arith.constant 0 : i32
      %dma_start3A_54 = tpu.memref_slice %arg5[%add3A, %dma_start3A_53] : memref<4x45056xf32, #tpu.memory_space<hbm>> -> memref<1x45056xf32, #tpu.memory_space<hbm>>
      %dma_start3A_55 = tpu.memref_squeeze %dma_start3A_54 : memref<1x45056xf32, #tpu.memory_space<hbm>> -> memref<45056xf32, #tpu.memory_space<hbm>>
      %dma_start3A_56 = arith.constant 0 : i32
      %dma_start3A_57 = tpu.memref_slice %arg9[%dma_start3A_56] : memref<45056xf32, #tpu.memory_space<vmem>> -> memref<45056xf32, #tpu.memory_space<vmem>>
      tpu.enqueue_dma source(%dma_start3A_57 : memref<45056xf32, #tpu.memory_space<vmem>>) target(%dma_start3A_55 : memref<45056xf32, #tpu.memory_space<hbm>>) target_semaphore(%arg11 : memref<!tpu.dma_semaphore, #tpu.memory_space<semaphore_mem>>)
      %dma_wait3A_58 = arith.constant 0 : i32
      %dma_wait3A_59 = tpu.memref_slice %arg9[%dma_wait3A_58] : memref<45056xf32, #tpu.memory_space<vmem>> -> memref<45056xf32, #tpu.memory_space<vmem>>
      %dma_wait3A_60 = arith.constant 0 : i32
      %dma_wait3A_61 = tpu.memref_slice %arg5[%add3A, %dma_wait3A_60] : memref<4x45056xf32, #tpu.memory_space<hbm>> -> memref<1x45056xf32, #tpu.memory_space<hbm>>
      %dma_wait3A_62 = tpu.memref_squeeze %dma_wait3A_61 : memref<1x45056xf32, #tpu.memory_space<hbm>> -> memref<45056xf32, #tpu.memory_space<hbm>>
      %dma_wait3A_63 = arith.constant 0 : i32
      %dma_wait3A_64 = tpu.memref_slice %arg5[%add3A, %dma_wait3A_63] : memref<4x45056xf32, #tpu.memory_space<hbm>> -> memref<1x45056xf32, #tpu.memory_space<hbm>>
      %dma_wait3A_65 = tpu.memref_squeeze %dma_wait3A_64 : memref<1x45056xf32, #tpu.memory_space<hbm>> -> memref<45056xf32, #tpu.memory_space<hbm>>
      %dma_wait3A_66 = arith.constant 0 : i32
      %dma_wait3A_67 = tpu.memref_slice %arg9[%dma_wait3A_66] : memref<45056xf32, #tpu.memory_space<vmem>> -> memref<45056xf32, #tpu.memory_space<vmem>>
      tpu.wait_dma2 semaphore(%arg11 : memref<!tpu.dma_semaphore, #tpu.memory_space<semaphore_mem>>) src(%dma_wait3A_67 : memref<45056xf32, #tpu.memory_space<vmem>>) dst(%dma_wait3A_65 : memref<45056xf32, #tpu.memory_space<hbm>>)
      %dma_start3A_68 = arith.constant 0 : i32
      %dma_start3A_69 = arith.constant 0 : i32
      %dma_start3A_70 = tpu.memref_slice %arg7[%add3A, %dma_start3A_68, %dma_start3A_69] : memref<4x2x16xi32, #tpu.memory_space<hbm>> -> memref<1x1x16xi32, #tpu.memory_space<hbm>>
      %dma_start3A_71 = tpu.memref_squeeze %dma_start3A_70 : memref<1x1x16xi32, #tpu.memory_space<hbm>> -> memref<16xi32, #tpu.memory_space<hbm>>
      %dma_start3A_72 = arith.constant 0 : i32
      %dma_start3A_73 = tpu.memref_slice %arg7[%add3A, %dma_start3A_68, %dma_start3A_72] : memref<4x2x16xi32, #tpu.memory_space<hbm>> -> memref<1x1x16xi32, #tpu.memory_space<hbm>>
      %dma_start3A_74 = tpu.memref_squeeze %dma_start3A_73 : memref<1x1x16xi32, #tpu.memory_space<hbm>> -> memref<16xi32, #tpu.memory_space<hbm>>
      tpu.enqueue_dma source(%arg10 : memref<16xi32, #tpu.memory_space<vmem>>) target(%dma_start3A_74 : memref<16xi32, #tpu.memory_space<hbm>>) target_semaphore(%arg11 : memref<!tpu.dma_semaphore, #tpu.memory_space<semaphore_mem>>)
      %dma_wait3A_75 = arith.constant 0 : i32
      %dma_wait3A_76 = arith.constant 0 : i32
      %dma_wait3A_77 = tpu.memref_slice %arg7[%add3A, %dma_wait3A_75, %dma_wait3A_76] : memref<4x2x16xi32, #tpu.memory_space<hbm>> -> memref<1x1x16xi32, #tpu.memory_space<hbm>>
      %dma_wait3A_78 = tpu.memref_squeeze %dma_wait3A_77 : memref<1x1x16xi32, #tpu.memory_space<hbm>> -> memref<16xi32, #tpu.memory_space<hbm>>
      %dma_wait3A_79 = arith.constant 0 : i32
      %dma_wait3A_80 = tpu.memref_slice %arg7[%add3A, %dma_wait3A_75, %dma_wait3A_79] : memref<4x2x16xi32, #tpu.memory_space<hbm>> -> memref<1x1x16xi32, #tpu.memory_space<hbm>>
      %dma_wait3A_81 = tpu.memref_squeeze %dma_wait3A_80 : memref<1x1x16xi32, #tpu.memory_space<hbm>> -> memref<16xi32, #tpu.memory_space<hbm>>
      tpu.wait_dma2 semaphore(%arg11 : memref<!tpu.dma_semaphore, #tpu.memory_space<semaphore_mem>>) src(%arg10 : memref<16xi32, #tpu.memory_space<vmem>>) dst(%dma_wait3A_81 : memref<16xi32, #tpu.memory_space<hbm>>)
    } else {
    }
    %ge3A = arith.constant 4 : i32
    %ge3A_3 = arith.cmpi sge, %add3A, %ge3A : i32
    %lt3A_4 = arith.constant 8 : i32
    %lt3A_5 = arith.cmpi slt, %add3A, %lt3A_4 : i32
    %and3A = arith.andi %ge3A_3, %lt3A_5 : i1
    %convert_element_type3A_6 = arith.extui %and3A : i1 to i32
    %cond3A_7 = arith.constant 0 : i32
    %cond3A_8 = arith.cmpi ne, %convert_element_type3A_6, %cond3A_7 : i32
    scf.if %cond3A_8 {
      %sub3A = arith.constant 4 : i32
      %sub3A_9 = arith.subi %add3A, %sub3A : i32
      %dma_start3A = arith.constant 0 : i32
      %dma_start3A_10 = tpu.memref_slice %arg8[%dma_start3A] : memref<45056xf32, #tpu.memory_space<vmem>> -> memref<8192xf32, #tpu.memory_space<vmem>>
      %dma_start3A_11 = arith.constant 0 : i32
      %dma_start3A_12 = tpu.memref_slice %arg3[%sub3A_9, %dma_start3A_11] : memref<4x8192xf32, #tpu.memory_space<hbm>> -> memref<1x8192xf32, #tpu.memory_space<hbm>>
      %dma_start3A_13 = tpu.memref_squeeze %dma_start3A_12 : memref<1x8192xf32, #tpu.memory_space<hbm>> -> memref<8192xf32, #tpu.memory_space<hbm>>
      %dma_start3A_14 = arith.constant 0 : i32
      %dma_start3A_15 = tpu.memref_slice %arg8[%dma_start3A_14] : memref<45056xf32, #tpu.memory_space<vmem>> -> memref<8192xf32, #tpu.memory_space<vmem>>
      %dma_start3A_16 = arith.constant 0 : i32
      %dma_start3A_17 = tpu.memref_slice %arg3[%sub3A_9, %dma_start3A_16] : memref<4x8192xf32, #tpu.memory_space<hbm>> -> memref<1x8192xf32, #tpu.memory_space<hbm>>
      %dma_start3A_18 = tpu.memref_squeeze %dma_start3A_17 : memref<1x8192xf32, #tpu.memory_space<hbm>> -> memref<8192xf32, #tpu.memory_space<hbm>>
      tpu.enqueue_dma source(%dma_start3A_18 : memref<8192xf32, #tpu.memory_space<hbm>>) target(%dma_start3A_15 : memref<8192xf32, #tpu.memory_space<vmem>>) target_semaphore(%arg11 : memref<!tpu.dma_semaphore, #tpu.memory_space<semaphore_mem>>)
      %dma_wait3A = arith.constant 0 : i32
      %dma_wait3A_19 = tpu.memref_slice %arg8[%dma_wait3A] : memref<45056xf32, #tpu.memory_space<vmem>> -> memref<8192xf32, #tpu.memory_space<vmem>>
      %dma_wait3A_20 = arith.constant 0 : i32
      %dma_wait3A_21 = tpu.memref_slice %arg3[%sub3A_9, %dma_wait3A_20] : memref<4x8192xf32, #tpu.memory_space<hbm>> -> memref<1x8192xf32, #tpu.memory_space<hbm>>
      %dma_wait3A_22 = tpu.memref_squeeze %dma_wait3A_21 : memref<1x8192xf32, #tpu.memory_space<hbm>> -> memref<8192xf32, #tpu.memory_space<hbm>>
      %dma_wait3A_23 = arith.constant 0 : i32
      %dma_wait3A_24 = tpu.memref_slice %arg8[%dma_wait3A_23] : memref<45056xf32, #tpu.memory_space<vmem>> -> memref<8192xf32, #tpu.memory_space<vmem>>
      %dma_wait3A_25 = arith.constant 0 : i32
      %dma_wait3A_26 = tpu.memref_slice %arg3[%sub3A_9, %dma_wait3A_25] : memref<4x8192xf32, #tpu.memory_space<hbm>> -> memref<1x8192xf32, #tpu.memory_space<hbm>>
      %dma_wait3A_27 = tpu.memref_squeeze %dma_wait3A_26 : memref<1x8192xf32, #tpu.memory_space<hbm>> -> memref<8192xf32, #tpu.memory_space<hbm>>
      tpu.wait_dma2 semaphore(%arg11 : memref<!tpu.dma_semaphore, #tpu.memory_space<semaphore_mem>>) src(%dma_wait3A_27 : memref<8192xf32, #tpu.memory_space<hbm>>) dst(%dma_wait3A_24 : memref<8192xf32, #tpu.memory_space<vmem>>)
      %dma_start3A_28 = arith.constant 0 : i32
      %dma_start3A_29 = tpu.memref_slice %arg9[%dma_start3A_28] : memref<45056xf32, #tpu.memory_space<vmem>> -> memref<8192xf32, #tpu.memory_space<vmem>>
      %dma_start3A_30 = arith.constant 0 : i32
      %dma_start3A_31 = tpu.memref_slice %arg4[%dma_start3A_30] : memref<45056xf32, #tpu.memory_space<hbm>> -> memref<8192xf32, #tpu.memory_space<hbm>>
      %dma_start3A_32 = arith.constant 0 : i32
      %dma_start3A_33 = tpu.memref_slice %arg9[%dma_start3A_32] : memref<45056xf32, #tpu.memory_space<vmem>> -> memref<8192xf32, #tpu.memory_space<vmem>>
      %dma_start3A_34 = arith.constant 0 : i32
      %dma_start3A_35 = tpu.memref_slice %arg4[%dma_start3A_34] : memref<45056xf32, #tpu.memory_space<hbm>> -> memref<8192xf32, #tpu.memory_space<hbm>>
      tpu.enqueue_dma source(%dma_start3A_35 : memref<8192xf32, #tpu.memory_space<hbm>>) target(%dma_start3A_33 : memref<8192xf32, #tpu.memory_space<vmem>>) target_semaphore(%arg11 : memref<!tpu.dma_semaphore, #tpu.memory_space<semaphore_mem>>)
      %dma_wait3A_36 = arith.constant 0 : i32
      %dma_wait3A_37 = tpu.memref_slice %arg9[%dma_wait3A_36] : memref<45056xf32, #tpu.memory_space<vmem>> -> memref<8192xf32, #tpu.memory_space<vmem>>
      %dma_wait3A_38 = arith.constant 0 : i32
      %dma_wait3A_39 = tpu.memref_slice %arg4[%dma_wait3A_38] : memref<45056xf32, #tpu.memory_space<hbm>> -> memref<8192xf32, #tpu.memory_space<hbm>>
      %dma_wait3A_40 = arith.constant 0 : i32
      %dma_wait3A_41 = tpu.memref_slice %arg9[%dma_wait3A_40] : memref<45056xf32, #tpu.memory_space<vmem>> -> memref<8192xf32, #tpu.memory_space<vmem>>
      %dma_wait3A_42 = arith.constant 0 : i32
      %dma_wait3A_43 = tpu.memref_slice %arg4[%dma_wait3A_42] : memref<45056xf32, #tpu.memory_space<hbm>> -> memref<8192xf32, #tpu.memory_space<hbm>>
      tpu.wait_dma2 semaphore(%arg11 : memref<!tpu.dma_semaphore, #tpu.memory_space<semaphore_mem>>) src(%dma_wait3A_43 : memref<8192xf32, #tpu.memory_space<hbm>>) dst(%dma_wait3A_41 : memref<8192xf32, #tpu.memory_space<vmem>>)
      %parallel_loop3A = arith.constant 0 : i32
      %parallel_loop3A_44 = arith.constant 128 : i32
      %parallel_loop3A_45 = arith.constant 1 : i32
      %parallel_loop3A_46 = arith.constant 0 : i32
      %parallel_loop3A_47 = scf.for %parallel_loop3A_83 = %parallel_loop3A to %parallel_loop3A_44 step %parallel_loop3A_45 iter_args(%parallel_loop3A_84 = %parallel_loop3A_46) -> (i32)  : i32 {
        %parallel_loop3A_85 = arith.constant 16 : i32
        %parallel_loop3A_86 = arith.muli %parallel_loop3A_83, %parallel_loop3A_85 : i32
        %parallel_loop3A_87 = arith.constant 6144 : i32
        %parallel_loop3A_88 = arith.addi %parallel_loop3A_87, %parallel_loop3A_86 : i32
        %parallel_loop3A_89 = arith.index_cast %parallel_loop3A_88 : i32 to index
        %parallel_loop3A_90 = tpu.vector_load %arg8[%parallel_loop3A_89] {strides = array<i32>} : memref<45056xf32, #tpu.memory_space<vmem>>, vector<16xf32>,
        %parallel_loop3A_91 = arith.constant 1.000000e-01 : f32
        %parallel_loop3A_92 = vector.broadcast %parallel_loop3A_91 : f32 to vector<16xf32>
        %parallel_loop3A_93 = arith.cmpf ogt, %parallel_loop3A_90, %parallel_loop3A_92 : vector<16xf32>
        %parallel_loop3A_94 = arith.extui %parallel_loop3A_93 : vector<16xi1> to vector<16xi32>
        %parallel_loop3A_95 = arith.constant true
        %parallel_loop3A_96 = vector.broadcast %parallel_loop3A_95 : i1 to vector<16xi1>
        %parallel_loop3A_97 = tpu.scan <sum>, %parallel_loop3A_94 masked %parallel_loop3A_96 : vector<16xi32>, vector<16xi1> -> vector<16xi32>
        %parallel_loop3A_98 = vector.broadcast %parallel_loop3A_84 : i32 to vector<16xi32>
        %parallel_loop3A_99 = arith.addi %parallel_loop3A_98, %parallel_loop3A_97 : vector<16xi32>
        %parallel_loop3A_100 = arith.constant 1 : i32
        %parallel_loop3A_101 = vector.broadcast %parallel_loop3A_100 : i32 to vector<16xi32>
        %parallel_loop3A_102 = arith.subi %parallel_loop3A_99, %parallel_loop3A_101 : vector<16xi32>
        %parallel_loop3A_103 = arith.constant 0 : i32
        %parallel_loop3A_104 = vector.broadcast %parallel_loop3A_103 : i32 to vector<16xi32>
        %parallel_loop3A_105 = arith.select %parallel_loop3A_93, %parallel_loop3A_102, %parallel_loop3A_104 : vector<16xi1>, vector<16xi32>
        %parallel_loop3A_106 = arith.constant 0 : i32
        %parallel_loop3A_107 = vector.broadcast %parallel_loop3A_106 : i32 to vector<16xi32>
        %parallel_loop3A_108 = arith.addi %parallel_loop3A_105, %parallel_loop3A_107 : vector<16xi32>
        %parallel_loop3A_109 = arith.constant 16 : i32
        %parallel_loop3A_110 = arith.muli %parallel_loop3A_83, %parallel_loop3A_109 : i32
        %parallel_loop3A_111 = arith.constant 0 : i32
        %parallel_loop3A_112 = arith.addi %parallel_loop3A_111, %parallel_loop3A_110 : i32
        %parallel_loop3A_113 = arith.index_cast %parallel_loop3A_112 : i32 to index
        %parallel_loop3A_114 = tpu.vector_load %arg8[%parallel_loop3A_113] {strides = array<i32>} : memref<45056xf32, #tpu.memory_space<vmem>>, vector<16xf32>,
        tpu.vector_store_idx %arg9[%parallel_loop3A_108], %parallel_loop3A_114 masked %parallel_loop3A_93 : memref<45056xf32, #tpu.memory_space<vmem>>[vector<16xi32>], vector<16xf32>, vector<16xi1>
        %parallel_loop3A_115 = arith.constant 2048 : i32
        %parallel_loop3A_116 = vector.broadcast %parallel_loop3A_115 : i32 to vector<16xi32>
        %parallel_loop3A_117 = arith.addi %parallel_loop3A_105, %parallel_loop3A_116 : vector<16xi32>
        %parallel_loop3A_118 = arith.constant 16 : i32
        %parallel_loop3A_119 = arith.muli %parallel_loop3A_83, %parallel_loop3A_118 : i32
        %parallel_loop3A_120 = arith.constant 2048 : i32
        %parallel_loop3A_121 = arith.addi %parallel_loop3A_120, %parallel_loop3A_119 : i32
        %parallel_loop3A_122 = arith.index_cast %parallel_loop3A_121 : i32 to index
        %parallel_loop3A_123 = tpu.vector_load %arg8[%parallel_loop3A_122] {strides = array<i32>} : memref<45056xf32, #tpu.memory_space<vmem>>, vector<16xf32>,
        tpu.vector_store_idx %arg9[%parallel_loop3A_117], %parallel_loop3A_123 masked %parallel_loop3A_93 : memref<45056xf32, #tpu.memory_space<vmem>>[vector<16xi32>], vector<16xf32>, vector<16xi1>
        %parallel_loop3A_124 = arith.constant 4096 : i32
        %parallel_loop3A_125 = vector.broadcast %parallel_loop3A_124 : i32 to vector<16xi32>
        %parallel_loop3A_126 = arith.addi %parallel_loop3A_105, %parallel_loop3A_125 : vector<16xi32>
        %parallel_loop3A_127 = arith.constant 16 : i32
        %parallel_loop3A_128 = arith.muli %parallel_loop3A_83, %parallel_loop3A_127 : i32
        %parallel_loop3A_129 = arith.constant 4096 : i32
        %parallel_loop3A_130 = arith.addi %parallel_loop3A_129, %parallel_loop3A_128 : i32
        %parallel_loop3A_131 = arith.index_cast %parallel_loop3A_130 : i32 to index
        %parallel_loop3A_132 = tpu.vector_load %arg8[%parallel_loop3A_131] {strides = array<i32>} : memref<45056xf32, #tpu.memory_space<vmem>>, vector<16xf32>,
        tpu.vector_store_idx %arg9[%parallel_loop3A_126], %parallel_loop3A_132 masked %parallel_loop3A_93 : memref<45056xf32, #tpu.memory_space<vmem>>[vector<16xi32>], vector<16xf32>, vector<16xi1>
        %parallel_loop3A_133 = arith.constant 6144 : i32
        %parallel_loop3A_134 = vector.broadcast %parallel_loop3A_133 : i32 to vector<16xi32>
        %parallel_loop3A_135 = arith.addi %parallel_loop3A_105, %parallel_loop3A_134 : vector<16xi32>
        %parallel_loop3A_136 = arith.constant 16 : i32
        %parallel_loop3A_137 = arith.muli %parallel_loop3A_83, %parallel_loop3A_136 : i32
        %parallel_loop3A_138 = arith.constant 6144 : i32
        %parallel_loop3A_139 = arith.addi %parallel_loop3A_138, %parallel_loop3A_137 : i32
        %parallel_loop3A_140 = arith.index_cast %parallel_loop3A_139 : i32 to index
        %parallel_loop3A_141 = tpu.vector_load %arg8[%parallel_loop3A_140] {strides = array<i32>} : memref<45056xf32, #tpu.memory_space<vmem>>, vector<16xf32>,
        tpu.vector_store_idx %arg9[%parallel_loop3A_135], %parallel_loop3A_141 masked %parallel_loop3A_93 : memref<45056xf32, #tpu.memory_space<vmem>>[vector<16xi32>], vector<16xf32>, vector<16xi1>
        %parallel_loop3A_142 = arith.constant true
        %parallel_loop3A_143 = vector.broadcast %parallel_loop3A_142 : i1 to vector<16xi1>
        %parallel_loop3A_144 = tpu.scan <sum>, %parallel_loop3A_94 masked %parallel_loop3A_143 : vector<16xi32>, vector<16xi1> -> vector<16xi32>
        %parallel_loop3A_145 = vector.extract %parallel_loop3A_144[15] : i32 from vector<16xi32>
        %parallel_loop3A_146 = arith.addi %parallel_loop3A_84, %parallel_loop3A_145 : i32
        scf.yield %parallel_loop3A_146 : i32
      } {sc.loop_unroll_factor = 4 : i64, sc.parallel_access}
      %broadcast_in_dim3A = vector.broadcast %parallel_loop3A_47 : i32 to vector<16xi32>
      %swap3A = arith.constant 0 : index
      %swap3A_48 = tpu.vector_load %arg10[%swap3A] {strides = array<i32>} : memref<16xi32, #tpu.memory_space<vmem>>, vector<16xi32>,
      tpu.vector_store %arg10[%swap3A], %broadcast_in_dim3A {strides = array<i32>} : memref<16xi32, #tpu.memory_space<vmem>>, vector<16xi32>,
      %dma_start3A_49 = arith.constant 0 : i32
      %dma_start3A_50 = tpu.memref_slice %arg9[%dma_start3A_49] : memref<45056xf32, #tpu.memory_space<vmem>> -> memref<8192xf32, #tpu.memory_space<vmem>>
      %dma_start3A_51 = arith.constant 0 : i32
      %dma_start3A_52 = tpu.memref_slice %arg6[%sub3A_9, %dma_start3A_51] : memref<4x8192xf32, #tpu.memory_space<hbm>> -> memref<1x8192xf32, #tpu.memory_space<hbm>>
      %dma_start3A_53 = tpu.memref_squeeze %dma_start3A_52 : memref<1x8192xf32, #tpu.memory_space<hbm>> -> memref<8192xf32, #tpu.memory_space<hbm>>
      %dma_start3A_54 = arith.constant 0 : i32
      %dma_start3A_55 = tpu.memref_slice %arg6[%sub3A_9, %dma_start3A_54] : memref<4x8192xf32, #tpu.memory_space<hbm>> -> memref<1x8192xf32, #tpu.memory_space<hbm>>
      %dma_start3A_56 = tpu.memref_squeeze %dma_start3A_55 : memref<1x8192xf32, #tpu.memory_space<hbm>> -> memref<8192xf32, #tpu.memory_space<hbm>>
      %dma_start3A_57 = arith.constant 0 : i32
      %dma_start3A_58 = tpu.memref_slice %arg9[%dma_start3A_57] : memref<45056xf32, #tpu.memory_space<vmem>> -> memref<8192xf32, #tpu.memory_space<vmem>>
      tpu.enqueue_dma source(%dma_start3A_58 : memref<8192xf32, #tpu.memory_space<vmem>>) target(%dma_start3A_56 : memref<8192xf32, #tpu.memory_space<hbm>>) target_semaphore(%arg11 : memref<!tpu.dma_semaphore, #tpu.memory_space<semaphore_mem>>)
      %dma_wait3A_59 = arith.constant 0 : i32
      %dma_wait3A_60 = tpu.memref_slice %arg9[%dma_wait3A_59] : memref<45056xf32, #tpu.memory_space<vmem>> -> memref<8192xf32, #tpu.memory_space<vmem>>
      %dma_wait3A_61 = arith.constant 0 : i32
      %dma_wait3A_62 = tpu.memref_slice %arg6[%sub3A_9, %dma_wait3A_61] : memref<4x8192xf32, #tpu.memory_space<hbm>> -> memref<1x8192xf32, #tpu.memory_space<hbm>>
      %dma_wait3A_63 = tpu.memref_squeeze %dma_wait3A_62 : memref<1x8192xf32, #tpu.memory_space<hbm>> -> memref<8192xf32, #tpu.memory_space<hbm>>
      %dma_wait3A_64 = arith.constant 0 : i32
      %dma_wait3A_65 = tpu.memref_slice %arg6[%sub3A_9, %dma_wait3A_64] : memref<4x8192xf32, #tpu.memory_space<hbm>> -> memref<1x8192xf32, #tpu.memory_space<hbm>>
      %dma_wait3A_66 = tpu.memref_squeeze %dma_wait3A_65 : memref<1x8192xf32, #tpu.memory_space<hbm>> -> memref<8192xf32, #tpu.memory_space<hbm>>
      %dma_wait3A_67 = arith.constant 0 : i32
      %dma_wait3A_68 = tpu.memref_slice %arg9[%dma_wait3A_67] : memref<45056xf32, #tpu.memory_space<vmem>> -> memref<8192xf32, #tpu.memory_space<vmem>>
      tpu.wait_dma2 semaphore(%arg11 : memref<!tpu.dma_semaphore, #tpu.memory_space<semaphore_mem>>) src(%dma_wait3A_68 : memref<8192xf32, #tpu.memory_space<vmem>>) dst(%dma_wait3A_66 : memref<8192xf32, #tpu.memory_space<hbm>>)
      %dma_start3A_69 = arith.constant 1 : i32
      %dma_start3A_70 = arith.constant 0 : i32
      %dma_start3A_71 = tpu.memref_slice %arg7[%sub3A_9, %dma_start3A_69, %dma_start3A_70] : memref<4x2x16xi32, #tpu.memory_space<hbm>> -> memref<1x1x16xi32, #tpu.memory_space<hbm>>
      %dma_start3A_72 = tpu.memref_squeeze %dma_start3A_71 : memref<1x1x16xi32, #tpu.memory_space<hbm>> -> memref<16xi32, #tpu.memory_space<hbm>>
      %dma_start3A_73 = arith.constant 0 : i32
      %dma_start3A_74 = tpu.memref_slice %arg7[%sub3A_9, %dma_start3A_69, %dma_start3A_73] : memref<4x2x16xi32, #tpu.memory_space<hbm>> -> memref<1x1x16xi32, #tpu.memory_space<hbm>>
      %dma_start3A_75 = tpu.memref_squeeze %dma_start3A_74 : memref<1x1x16xi32, #tpu.memory_space<hbm>> -> memref<16xi32, #tpu.memory_space<hbm>>
      tpu.enqueue_dma source(%arg10 : memref<16xi32, #tpu.memory_space<vmem>>) target(%dma_start3A_75 : memref<16xi32, #tpu.memory_space<hbm>>) target_semaphore(%arg11 : memref<!tpu.dma_semaphore, #tpu.memory_space<semaphore_mem>>)
      %dma_wait3A_76 = arith.constant 1 : i32
      %dma_wait3A_77 = arith.constant 0 : i32
      %dma_wait3A_78 = tpu.memref_slice %arg7[%sub3A_9, %dma_wait3A_76, %dma_wait3A_77] : memref<4x2x16xi32, #tpu.memory_space<hbm>> -> memref<1x1x16xi32, #tpu.memory_space<hbm>>
      %dma_wait3A_79 = tpu.memref_squeeze %dma_wait3A_78 : memref<1x1x16xi32, #tpu.memory_space<hbm>> -> memref<16xi32, #tpu.memory_space<hbm>>
      %dma_wait3A_80 = arith.constant 0 : i32
      %dma_wait3A_81 = tpu.memref_slice %arg7[%sub3A_9, %dma_wait3A_76, %dma_wait3A_80] : memref<4x2x16xi32, #tpu.memory_space<hbm>> -> memref<1x1x16xi32, #tpu.memory_space<hbm>>
      %dma_wait3A_82 = tpu.memref_squeeze %dma_wait3A_81 : memref<1x1x16xi32, #tpu.memory_space<hbm>> -> memref<16xi32, #tpu.memory_space<hbm>>
      tpu.wait_dma2 semaphore(%arg11 : memref<!tpu.dma_semaphore, #tpu.memory_space<semaphore_mem>>) src(%arg10 : memref<16xi32, #tpu.memory_space<vmem>>) dst(%dma_wait3A_82 : memref<16xi32, #tpu.memory_space<hbm>>)
    } else {
    }
    return
  }
}

module attributes {stable_mosaic.version = 14 : i64} {
  func.func @_cl_kernel(%arg0: i32, %arg1: memref<4x2x16xi32, #tpu.memory_space<smem>>, %arg2: memref<1x11264x4xf32, #tpu.memory_space<vmem>>, %arg3: memref<1x4x2048xf32, #tpu.memory_space<vmem>>, %arg4: memref<1x1x1xf32, #tpu.memory_space<vmem>>, %arg5: memref<1x1x1xf32, #tpu.memory_space<vmem>>) attributes {dimension_semantics = [#tpu.dimension_semantics<arbitrary>], iteration_bounds = array<i64: 4>, scalar_prefetch = 0 : i64, scratch_operands = 0 : i64, tpu.core_type = #tpu.core_type<tc>, window_params = [{transform_indices = @transform_0, window_bounds = array<i64: 4, 2, 16>}, {transform_indices = @transform_1, window_bounds = array<i64: 1, 11264, 4>}, {transform_indices = @transform_2, window_bounds = array<i64: 1, 4, 2048>}, {transform_indices = @transform_3, window_bounds = array<i64: 1, 1, 1>}, {transform_indices = @transform_4, window_bounds = array<i64: 1, 1, 1>}]} {
    %get3A = arith.index_cast %arg0 : i32 to index
    %get3A_0 = arith.constant 0 : index
    %get3A_1 = arith.constant 0 : index
    %get3A_2 = memref.load %arg1[%get3A, %get3A_0, %get3A_1] : memref<4x2x16xi32, #tpu.memory_space<smem>>
    %get3A_3 = arith.index_cast %arg0 : i32 to index
    %get3A_4 = arith.constant 1 : index
    %get3A_5 = arith.constant 0 : index
    %get3A_6 = memref.load %arg1[%get3A_3, %get3A_4, %get3A_5] : memref<4x2x16xi32, #tpu.memory_space<smem>>
    %get3A_7 = arith.constant 0 : index
    %get3A_8 = arith.constant 0 : index
    %get3A_9 = arith.constant 0 : index
    %get3A_10 = vector.load %arg3[%get3A_7, %get3A_8, %get3A_9] : memref<1x4x2048xf32, #tpu.memory_space<vmem>>, vector<1x1x2048xf32>
    %get3A_11 = vector.shape_cast %get3A_10 : vector<1x1x2048xf32> to vector<1x2048xf32>
    %get3A_12 = arith.constant 0 : index
    %get3A_13 = arith.constant 1 : index
    %get3A_14 = arith.constant 0 : index
    %get3A_15 = vector.load %arg3[%get3A_12, %get3A_13, %get3A_14] : memref<1x4x2048xf32, #tpu.memory_space<vmem>>, vector<1x1x2048xf32>
    %get3A_16 = vector.shape_cast %get3A_15 : vector<1x1x2048xf32> to vector<1x2048xf32>
    %get3A_17 = arith.constant 0 : index
    %get3A_18 = arith.constant 2 : index
    %get3A_19 = arith.constant 0 : index
    %get3A_20 = vector.load %arg3[%get3A_17, %get3A_18, %get3A_19] : memref<1x4x2048xf32, #tpu.memory_space<vmem>>, vector<1x1x2048xf32>
    %get3A_21 = vector.shape_cast %get3A_20 : vector<1x1x2048xf32> to vector<1x2048xf32>
    %get3A_22 = arith.constant 0 : index
    %get3A_23 = arith.constant 3 : index
    %get3A_24 = arith.constant 0 : index
    %get3A_25 = vector.load %arg3[%get3A_22, %get3A_23, %get3A_24] : memref<1x4x2048xf32, #tpu.memory_space<vmem>>, vector<1x1x2048xf32>
    %get3A_26 = vector.shape_cast %get3A_25 : vector<1x1x2048xf32> to vector<1x2048xf32>
    %gt3A = arith.constant 1.000000e-01 : f32
    %gt3A_27 = vector.broadcast %gt3A : f32 to vector<1x2048xf32>
    %gt3A_28 = arith.cmpf ogt, %get3A_26, %gt3A_27 : vector<1x2048xf32>
    %mul3A = arith.mulf %get3A_11, %get3A_11 : vector<1x2048xf32>
    %mul3A_29 = arith.mulf %get3A_16, %get3A_16 : vector<1x2048xf32>
    %add3A = arith.addf %mul3A, %mul3A_29 : vector<1x2048xf32>
    %mul3A_30 = arith.mulf %get3A_21, %get3A_21 : vector<1x2048xf32>
    %add3A_31 = arith.addf %add3A, %mul3A_30 : vector<1x2048xf32>
    %convert_element_type3A = arith.truncf %get3A_11 : vector<1x2048xf32> to vector<1x2048xbf16>
    %convert_element_type3A_32 = arith.extf %convert_element_type3A : vector<1x2048xbf16> to vector<1x2048xf32>
    %mul3A_33 = arith.constant -2.000000e+00 : f32
    %mul3A_34 = vector.broadcast %mul3A_33 : f32 to vector<1x2048xf32>
    %mul3A_35 = arith.mulf %mul3A_34, %convert_element_type3A_32 : vector<1x2048xf32>
    %convert_element_type3A_36 = arith.truncf %get3A_16 : vector<1x2048xf32> to vector<1x2048xbf16>
    %convert_element_type3A_37 = arith.extf %convert_element_type3A_36 : vector<1x2048xbf16> to vector<1x2048xf32>
    %mul3A_38 = arith.constant -2.000000e+00 : f32
    %mul3A_39 = vector.broadcast %mul3A_38 : f32 to vector<1x2048xf32>
    %mul3A_40 = arith.mulf %mul3A_39, %convert_element_type3A_37 : vector<1x2048xf32>
    %convert_element_type3A_41 = arith.truncf %get3A_21 : vector<1x2048xf32> to vector<1x2048xbf16>
    %convert_element_type3A_42 = arith.extf %convert_element_type3A_41 : vector<1x2048xbf16> to vector<1x2048xf32>
    %mul3A_43 = arith.constant -2.000000e+00 : f32
    %mul3A_44 = vector.broadcast %mul3A_43 : f32 to vector<1x2048xf32>
    %mul3A_45 = arith.mulf %mul3A_44, %convert_element_type3A_42 : vector<1x2048xf32>
    %mul3A_46 = arith.mulf %get3A_26, %get3A_26 : vector<1x2048xf32>
    %jit3A = arith.constant 1.000000e+30 : f32
    %broadcast_in_dim3A = vector.broadcast %jit3A : f32 to vector<1x2048xf32>
    %select_n3A = arith.select %gt3A_28, %mul3A_46, %broadcast_in_dim3A : vector<1x2048xi1>, vector<1x2048xf32>
    %add3A_47 = arith.constant 704 : i32
    %add3A_48 = arith.addi %get3A_2, %add3A_47 : i32
    %sub3A = arith.constant 1 : i32
    %sub3A_49 = arith.subi %add3A_48, %sub3A : i32
    %jit3A_50 = arith.constant 704 : i32
    %div3A = arith.divsi %sub3A_49, %jit3A_50 : i32
    %sign3A = arith.constant 0 : i32
    %sign3A_51 = arith.cmpi sgt, %sub3A_49, %sign3A : i32
    %sign3A_52 = arith.extui %sign3A_51 : i1 to i32
    %sign3A_53 = arith.constant 0 : i32
    %sign3A_54 = arith.cmpi slt, %sub3A_49, %sign3A_53 : i32
    %sign3A_55 = arith.extui %sign3A_54 : i1 to i32
    %sign3A_56 = arith.subi %sign3A_52, %sign3A_55 : i32
    %sign3A_57 = arith.constant 0 : i32
    %sign3A_58 = arith.cmpi sgt, %jit3A_50, %sign3A_57 : i32
    %sign3A_59 = arith.extui %sign3A_58 : i1 to i32
    %sign3A_60 = arith.constant 0 : i32
    %sign3A_61 = arith.cmpi slt, %jit3A_50, %sign3A_60 : i32
    %sign3A_62 = arith.extui %sign3A_61 : i1 to i32
    %sign3A_63 = arith.subi %sign3A_59, %sign3A_62 : i32
    %ne3A = arith.cmpi ne, %sign3A_56, %sign3A_63 : i32
    %rem3A = arith.remsi %sub3A_49, %jit3A_50 : i32
    %ne3A_64 = arith.constant 0 : i32
    %ne3A_65 = arith.cmpi ne, %rem3A, %ne3A_64 : i32
    %and3A = arith.andi %ne3A, %ne3A_65 : i1
    %sub3A_66 = arith.constant 1 : i32
    %sub3A_67 = arith.subi %div3A, %sub3A_66 : i32
    %select_n3A_68 = arith.select %and3A, %sub3A_67, %div3A : i32
    %broadcast_in_dim3A_69 = arith.constant 0.000000e+00 : f32
    %broadcast_in_dim3A_70 = vector.broadcast %broadcast_in_dim3A_69 : f32 to vector<704x1xf32>
    %broadcast_in_dim3A_71 = arith.constant 1.000000e+30 : f32
    %broadcast_in_dim3A_72 = vector.broadcast %broadcast_in_dim3A_71 : f32 to vector<1x2048xf32>
    %while3A = arith.constant 0 : i32
    %while3A_73 = arith.subi %select_n3A_68, %while3A : i32
    %while3A_74 = arith.addi %while3A, %while3A_73 : i32
    %while3A_75 = arith.constant 1 : i32
    %while3A_76 = arith.divsi %while3A_73, %while3A_75 : i32
    %while3A_77 = arith.muli %while3A_76, %while3A_75 : i32
    %while3A_78 = arith.addi %while3A, %while3A_77 : i32
    %while3A_79 = arith.constant 1 : i32
    %while3A_80:2 = scf.for %while3A_121 = %while3A to %while3A_78 step %while3A_79 iter_args(%while3A_122 = %broadcast_in_dim3A_70, %while3A_123 = %broadcast_in_dim3A_72) -> (vector<704x1xf32>, vector<1x2048xf32>)  : i32 {
      %mul3A_124 = arith.constant 704 : i32
      %mul3A_125 = arith.muli %while3A_121, %mul3A_124 : i32
      %get3A_126 = arith.constant 0 : index
      %get3A_127 = arith.index_cast %mul3A_125 : i32 to index
      %get3A_128 = arith.constant 0 : index
      %get3A_129 = vector.load %arg2[%get3A_126, %get3A_127, %get3A_128] : memref<1x11264x4xf32, #tpu.memory_space<vmem>>, vector<1x704x4xf32>
      %get3A_130 = vector.shape_cast %get3A_129 : vector<1x704x4xf32> to vector<704x4xf32>
      %slice3A = vector.extract_strided_slice %get3A_130 {offsets = [0, 0], sizes = [704, 1], strides = [1, 1]} : vector<704x4xf32> to vector<704x1xf32>
      %slice3A_131 = vector.extract_strided_slice %get3A_130 {offsets = [0, 1], sizes = [704, 1], strides = [1, 1]} : vector<704x4xf32> to vector<704x1xf32>
      %slice3A_132 = vector.extract_strided_slice %get3A_130 {offsets = [0, 2], sizes = [704, 1], strides = [1, 1]} : vector<704x4xf32> to vector<704x1xf32>
      %slice3A_133 = vector.extract_strided_slice %get3A_130 {offsets = [0, 3], sizes = [704, 1], strides = [1, 1]} : vector<704x4xf32> to vector<704x1xf32>
      %mul3A_134 = arith.mulf %slice3A, %slice3A : vector<704x1xf32>
      %mul3A_135 = arith.mulf %slice3A_131, %slice3A_131 : vector<704x1xf32>
      %add3A_136 = arith.addf %mul3A_134, %mul3A_135 : vector<704x1xf32>
      %mul3A_137 = arith.mulf %slice3A_132, %slice3A_132 : vector<704x1xf32>
      %add3A_138 = arith.addf %add3A_136, %mul3A_137 : vector<704x1xf32>
      %iota3A = tpu.iota {dimensions = array<i32: 0>} : vector<704x1xi32>
      %add3A_139 = vector.broadcast %mul3A_125 : i32 to vector<704x1xi32>
      %add3A_140 = arith.addi %iota3A, %add3A_139 : vector<704x1xi32>
      %lt3A = vector.broadcast %get3A_2 : i32 to vector<704x1xi32>
      %lt3A_141 = arith.cmpi slt, %add3A_140, %lt3A : vector<704x1xi32>
      %mul3A_142 = arith.mulf %slice3A_133, %slice3A_133 : vector<704x1xf32>
      %jit3A_143 = arith.constant 1.000000e+30 : f32
      %broadcast_in_dim3A_144 = vector.broadcast %jit3A_143 : f32 to vector<704x1xf32>
      %select_n3A_145 = arith.select %lt3A_141, %mul3A_142, %broadcast_in_dim3A_144 : vector<704x1xi1>, vector<704x1xf32>
      %jit3A_146 = arith.constant 0.000000e+00 : f32
      %broadcast_in_dim3A_147 = vector.broadcast %jit3A_146 : f32 to vector<704x1xf32>
      %select_n3A_148 = arith.select %lt3A_141, %slice3A_133, %broadcast_in_dim3A_147 : vector<704x1xi1>, vector<704x1xf32>
      %convert_element_type3A_149 = arith.truncf %slice3A : vector<704x1xf32> to vector<704x1xbf16>
      %convert_element_type3A_150 = arith.extf %convert_element_type3A_149 : vector<704x1xbf16> to vector<704x1xf32>
      %convert_element_type3A_151 = arith.truncf %slice3A_131 : vector<704x1xf32> to vector<704x1xbf16>
      %convert_element_type3A_152 = arith.extf %convert_element_type3A_151 : vector<704x1xbf16> to vector<704x1xf32>
      %convert_element_type3A_153 = arith.truncf %slice3A_132 : vector<704x1xf32> to vector<704x1xbf16>
      %convert_element_type3A_154 = arith.extf %convert_element_type3A_153 : vector<704x1xbf16> to vector<704x1xf32>
      %add3A_155 = vector.broadcast %add3A_138 : vector<704x1xf32> to vector<704x2048xf32>
      %add3A_156 = vector.broadcast %add3A_31 : vector<1x2048xf32> to vector<704x2048xf32>
      %add3A_157 = arith.addf %add3A_155, %add3A_156 : vector<704x2048xf32>
      %mul3A_158 = vector.broadcast %convert_element_type3A_150 : vector<704x1xf32> to vector<704x2048xf32>
      %mul3A_159 = vector.broadcast %mul3A_35 : vector<1x2048xf32> to vector<704x2048xf32>
      %mul3A_160 = arith.mulf %mul3A_158, %mul3A_159 : vector<704x2048xf32>
      %add3A_161 = arith.addf %add3A_157, %mul3A_160 : vector<704x2048xf32>
      %mul3A_162 = vector.broadcast %convert_element_type3A_152 : vector<704x1xf32> to vector<704x2048xf32>
      %mul3A_163 = vector.broadcast %mul3A_40 : vector<1x2048xf32> to vector<704x2048xf32>
      %mul3A_164 = arith.mulf %mul3A_162, %mul3A_163 : vector<704x2048xf32>
      %add3A_165 = arith.addf %add3A_161, %mul3A_164 : vector<704x2048xf32>
      %mul3A_166 = vector.broadcast %convert_element_type3A_154 : vector<704x1xf32> to vector<704x2048xf32>
      %mul3A_167 = vector.broadcast %mul3A_45 : vector<1x2048xf32> to vector<704x2048xf32>
      %mul3A_168 = arith.mulf %mul3A_166, %mul3A_167 : vector<704x2048xf32>
      %add3A_169 = arith.addf %add3A_165, %mul3A_168 : vector<704x2048xf32>
      %max3A_170 = arith.constant 9.99999996E-13 : f32
      %max3A_171 = vector.broadcast %max3A_170 : f32 to vector<704x2048xf32>
      %max3A_172 = arith.maximumf %add3A_169, %max3A_171 : vector<704x2048xf32>
      %mul3A_173 = vector.broadcast %select_n3A : vector<1x2048xf32> to vector<704x2048xf32>
      %mul3A_174 = arith.mulf %max3A_172, %mul3A_173 : vector<704x2048xf32>
      %reduce_min3A = arith.constant dense<0x7F800000> : vector<704xf32>
      %reduce_min3A_175 = vector.multi_reduction <minimumf>, %mul3A_174, %reduce_min3A [1] : vector<704x2048xf32> to vector<704xf32>
      %broadcast_in_dim3A_176 = vector.shape_cast %reduce_min3A_175 : vector<704xf32> to vector<704x1xf32>
      %sqrt3A_177 = math.sqrt %broadcast_in_dim3A_176 : vector<704x1xf32>
      %mul3A_178 = arith.mulf %select_n3A_148, %sqrt3A_177 : vector<704x1xf32>
      %add3A_179 = arith.addf %while3A_122, %mul3A_178 : vector<704x1xf32>
      %mul3A_180 = vector.broadcast %select_n3A_145 : vector<704x1xf32> to vector<704x2048xf32>
      %mul3A_181 = arith.mulf %max3A_172, %mul3A_180 : vector<704x2048xf32>
      %reduce_min3A_182 = arith.constant dense<0x7F800000> : vector<2048xf32>
      %reduce_min3A_183 = vector.multi_reduction <minimumf>, %mul3A_181, %reduce_min3A_182 [0] : vector<704x2048xf32> to vector<2048xf32>
      %broadcast_in_dim3A_184 = vector.shape_cast %reduce_min3A_183 : vector<2048xf32> to vector<1x2048xf32>
      %min3A = arith.minimumf %while3A_123, %broadcast_in_dim3A_184 : vector<1x2048xf32>
      scf.yield %add3A_179, %min3A : vector<704x1xf32>, vector<1x2048xf32>
    }
    %while3A_81 = arith.constant 1 : i32
    %while3A_82:2 = scf.for %while3A_121 = %while3A_78 to %while3A_74 step %while3A_81 iter_args(%while3A_122 = %while3A_80#0, %while3A_123 = %while3A_80#1) -> (vector<704x1xf32>, vector<1x2048xf32>)  : i32 {
      %mul3A_124 = arith.constant 704 : i32
      %mul3A_125 = arith.muli %while3A_121, %mul3A_124 : i32
      %get3A_126 = arith.constant 0 : index
      %get3A_127 = arith.index_cast %mul3A_125 : i32 to index
      %get3A_128 = arith.constant 0 : index
      %get3A_129 = vector.load %arg2[%get3A_126, %get3A_127, %get3A_128] : memref<1x11264x4xf32, #tpu.memory_space<vmem>>, vector<1x704x4xf32>
      %get3A_130 = vector.shape_cast %get3A_129 : vector<1x704x4xf32> to vector<704x4xf32>
      %slice3A = vector.extract_strided_slice %get3A_130 {offsets = [0, 0], sizes = [704, 1], strides = [1, 1]} : vector<704x4xf32> to vector<704x1xf32>
      %slice3A_131 = vector.extract_strided_slice %get3A_130 {offsets = [0, 1], sizes = [704, 1], strides = [1, 1]} : vector<704x4xf32> to vector<704x1xf32>
      %slice3A_132 = vector.extract_strided_slice %get3A_130 {offsets = [0, 2], sizes = [704, 1], strides = [1, 1]} : vector<704x4xf32> to vector<704x1xf32>
      %slice3A_133 = vector.extract_strided_slice %get3A_130 {offsets = [0, 3], sizes = [704, 1], strides = [1, 1]} : vector<704x4xf32> to vector<704x1xf32>
      %mul3A_134 = arith.mulf %slice3A, %slice3A : vector<704x1xf32>
      %mul3A_135 = arith.mulf %slice3A_131, %slice3A_131 : vector<704x1xf32>
      %add3A_136 = arith.addf %mul3A_134, %mul3A_135 : vector<704x1xf32>
      %mul3A_137 = arith.mulf %slice3A_132, %slice3A_132 : vector<704x1xf32>
      %add3A_138 = arith.addf %add3A_136, %mul3A_137 : vector<704x1xf32>
      %iota3A = tpu.iota {dimensions = array<i32: 0>} : vector<704x1xi32>
      %add3A_139 = vector.broadcast %mul3A_125 : i32 to vector<704x1xi32>
      %add3A_140 = arith.addi %iota3A, %add3A_139 : vector<704x1xi32>
      %lt3A = vector.broadcast %get3A_2 : i32 to vector<704x1xi32>
      %lt3A_141 = arith.cmpi slt, %add3A_140, %lt3A : vector<704x1xi32>
      %mul3A_142 = arith.mulf %slice3A_133, %slice3A_133 : vector<704x1xf32>
      %jit3A_143 = arith.constant 1.000000e+30 : f32
      %broadcast_in_dim3A_144 = vector.broadcast %jit3A_143 : f32 to vector<704x1xf32>
      %select_n3A_145 = arith.select %lt3A_141, %mul3A_142, %broadcast_in_dim3A_144 : vector<704x1xi1>, vector<704x1xf32>
      %jit3A_146 = arith.constant 0.000000e+00 : f32
      %broadcast_in_dim3A_147 = vector.broadcast %jit3A_146 : f32 to vector<704x1xf32>
      %select_n3A_148 = arith.select %lt3A_141, %slice3A_133, %broadcast_in_dim3A_147 : vector<704x1xi1>, vector<704x1xf32>
      %convert_element_type3A_149 = arith.truncf %slice3A : vector<704x1xf32> to vector<704x1xbf16>
      %convert_element_type3A_150 = arith.extf %convert_element_type3A_149 : vector<704x1xbf16> to vector<704x1xf32>
      %convert_element_type3A_151 = arith.truncf %slice3A_131 : vector<704x1xf32> to vector<704x1xbf16>
      %convert_element_type3A_152 = arith.extf %convert_element_type3A_151 : vector<704x1xbf16> to vector<704x1xf32>
      %convert_element_type3A_153 = arith.truncf %slice3A_132 : vector<704x1xf32> to vector<704x1xbf16>
      %convert_element_type3A_154 = arith.extf %convert_element_type3A_153 : vector<704x1xbf16> to vector<704x1xf32>
      %add3A_155 = vector.broadcast %add3A_138 : vector<704x1xf32> to vector<704x2048xf32>
      %add3A_156 = vector.broadcast %add3A_31 : vector<1x2048xf32> to vector<704x2048xf32>
      %add3A_157 = arith.addf %add3A_155, %add3A_156 : vector<704x2048xf32>
      %mul3A_158 = vector.broadcast %convert_element_type3A_150 : vector<704x1xf32> to vector<704x2048xf32>
      %mul3A_159 = vector.broadcast %mul3A_35 : vector<1x2048xf32> to vector<704x2048xf32>
      %mul3A_160 = arith.mulf %mul3A_158, %mul3A_159 : vector<704x2048xf32>
      %add3A_161 = arith.addf %add3A_157, %mul3A_160 : vector<704x2048xf32>
      %mul3A_162 = vector.broadcast %convert_element_type3A_152 : vector<704x1xf32> to vector<704x2048xf32>
      %mul3A_163 = vector.broadcast %mul3A_40 : vector<1x2048xf32> to vector<704x2048xf32>
      %mul3A_164 = arith.mulf %mul3A_162, %mul3A_163 : vector<704x2048xf32>
      %add3A_165 = arith.addf %add3A_161, %mul3A_164 : vector<704x2048xf32>
      %mul3A_166 = vector.broadcast %convert_element_type3A_154 : vector<704x1xf32> to vector<704x2048xf32>
      %mul3A_167 = vector.broadcast %mul3A_45 : vector<1x2048xf32> to vector<704x2048xf32>
      %mul3A_168 = arith.mulf %mul3A_166, %mul3A_167 : vector<704x2048xf32>
      %add3A_169 = arith.addf %add3A_165, %mul3A_168 : vector<704x2048xf32>
      %max3A_170 = arith.constant 9.99999996E-13 : f32
      %max3A_171 = vector.broadcast %max3A_170 : f32 to vector<704x2048xf32>
      %max3A_172 = arith.maximumf %add3A_169, %max3A_171 : vector<704x2048xf32>
      %mul3A_173 = vector.broadcast %select_n3A : vector<1x2048xf32> to vector<704x2048xf32>
      %mul3A_174 = arith.mulf %max3A_172, %mul3A_173 : vector<704x2048xf32>
      %reduce_min3A = arith.constant dense<0x7F800000> : vector<704xf32>
      %reduce_min3A_175 = vector.multi_reduction <minimumf>, %mul3A_174, %reduce_min3A [1] : vector<704x2048xf32> to vector<704xf32>
      %broadcast_in_dim3A_176 = vector.shape_cast %reduce_min3A_175 : vector<704xf32> to vector<704x1xf32>
      %sqrt3A_177 = math.sqrt %broadcast_in_dim3A_176 : vector<704x1xf32>
      %mul3A_178 = arith.mulf %select_n3A_148, %sqrt3A_177 : vector<704x1xf32>
      %add3A_179 = arith.addf %while3A_122, %mul3A_178 : vector<704x1xf32>
      %mul3A_180 = vector.broadcast %select_n3A_145 : vector<704x1xf32> to vector<704x2048xf32>
      %mul3A_181 = arith.mulf %max3A_172, %mul3A_180 : vector<704x2048xf32>
      %reduce_min3A_182 = arith.constant dense<0x7F800000> : vector<2048xf32>
      %reduce_min3A_183 = vector.multi_reduction <minimumf>, %mul3A_181, %reduce_min3A_182 [0] : vector<704x2048xf32> to vector<2048xf32>
      %broadcast_in_dim3A_184 = vector.shape_cast %reduce_min3A_183 : vector<2048xf32> to vector<1x2048xf32>
      %min3A = arith.minimumf %while3A_123, %broadcast_in_dim3A_184 : vector<1x2048xf32>
      scf.yield %add3A_179, %min3A : vector<704x1xf32>, vector<1x2048xf32>
    }
    %reduce_sum3A = vector.shape_cast %while3A_82#0 : vector<704x1xf32> to vector<1x704x1xf32>
    %reduce_sum3A_83 = arith.constant dense<0.000000e+00> : vector<1xf32>
    %reduce_sum3A_84 = vector.multi_reduction <add>, %reduce_sum3A, %reduce_sum3A_83 [1, 2] : vector<1x704x1xf32> to vector<1xf32>
    %reduce_sum3A_85 = vector.shape_cast %reduce_sum3A_84 : vector<1xf32> to vector<1x1x1xf32>
    %reduce_sum3A_86 = vector.extract %reduce_sum3A_85[0, 0, 0] : f32 from vector<1x1x1xf32>
    %convert_element_type3A_87 = arith.sitofp %get3A_2 : i32 to f32
    %convert_element_type3A_88 = arith.sitofp %get3A_6 : i32 to f32
    %sqrt3A = math.sqrt %while3A_82#1 : vector<1x2048xf32>
    %mul3A_89 = arith.mulf %get3A_26, %sqrt3A : vector<1x2048xf32>
    %jit3A_90 = arith.constant 0.000000e+00 : f32
    %broadcast_in_dim3A_91 = vector.broadcast %jit3A_90 : f32 to vector<1x2048xf32>
    %select_n3A_92 = arith.select %gt3A_28, %mul3A_89, %broadcast_in_dim3A_91 : vector<1x2048xi1>, vector<1x2048xf32>
    %reduce_sum3A_93 = vector.shape_cast %select_n3A_92 : vector<1x2048xf32> to vector<1x1x2048xf32>
    %reduce_sum3A_94 = arith.constant dense<0.000000e+00> : vector<1xf32>
    %reduce_sum3A_95 = vector.multi_reduction <add>, %reduce_sum3A_93, %reduce_sum3A_94 [1, 2] : vector<1x1x2048xf32> to vector<1xf32>
    %reduce_sum3A_96 = vector.shape_cast %reduce_sum3A_95 : vector<1xf32> to vector<1x1x1xf32>
    %reduce_sum3A_97 = vector.extract %reduce_sum3A_96[0, 0, 0] : f32 from vector<1x1x1xf32>
    %max3A = arith.constant 1.000000e+00 : f32
    %max3A_98 = arith.maximumf %convert_element_type3A_87, %max3A : f32
    %div3A_99 = arith.divf %reduce_sum3A_86, %max3A_98 : f32
    %max3A_100 = arith.constant 1.000000e+00 : f32
    %max3A_101 = arith.maximumf %convert_element_type3A_88, %max3A_100 : f32
    %div3A_102 = arith.divf %reduce_sum3A_97, %max3A_101 : f32
    %gt3A_103 = arith.constant 0.000000e+00 : f32
    %gt3A_104 = arith.cmpf ogt, %convert_element_type3A_87, %gt3A_103 : f32
    %gt3A_105 = arith.constant 0.000000e+00 : f32
    %gt3A_106 = arith.cmpf ogt, %convert_element_type3A_88, %gt3A_105 : f32
    %and3A_107 = arith.andi %gt3A_104, %gt3A_106 : i1
    %add3A_108 = arith.addf %div3A_99, %div3A_102 : f32
    %jit3A_109 = arith.constant 0.000000e+00 : f32
    %select_n3A_110 = arith.select %and3A_107, %add3A_108, %jit3A_109 : f32
    %reshape3A = vector.broadcast %select_n3A_110 : f32 to vector<1x1x1xf32>
    %swap3A = arith.constant 0 : index
    %swap3A_111 = arith.constant 0 : index
    %swap3A_112 = arith.constant 0 : index
    %swap3A_113 = vector.load %arg4[%swap3A, %swap3A_111, %swap3A_112] : memref<1x1x1xf32, #tpu.memory_space<vmem>>, vector<1x1x1xf32>
    tpu.vector_store %arg4[%swap3A, %swap3A_111, %swap3A_112], %reshape3A {strides = array<i32>} : memref<1x1x1xf32, #tpu.memory_space<vmem>>, vector<1x1x1xf32>,
    %convert_element_type3A_114 = arith.extui %and3A_107 : i1 to i32
    %convert_element_type3A_115 = arith.sitofp %convert_element_type3A_114 : i32 to f32
    %reshape3A_116 = vector.broadcast %convert_element_type3A_115 : f32 to vector<1x1x1xf32>
    %swap3A_117 = arith.constant 0 : index
    %swap3A_118 = arith.constant 0 : index
    %swap3A_119 = arith.constant 0 : index
    %swap3A_120 = vector.load %arg5[%swap3A_117, %swap3A_118, %swap3A_119] : memref<1x1x1xf32, #tpu.memory_space<vmem>>, vector<1x1x1xf32>
    tpu.vector_store %arg5[%swap3A_117, %swap3A_118, %swap3A_119], %reshape3A_116 {strides = array<i32>} : memref<1x1x1xf32, #tpu.memory_space<vmem>>, vector<1x1x1xf32>,
    return
  }
  func.func @transform_0(%arg0: i32) -> (i32, i32, i32) {
    %c0_i32 = arith.constant 0 : i32
    %c0_i32_0 = arith.constant 0 : i32
    %c0_i32_1 = arith.constant 0 : i32
    %c0_i32_2 = arith.constant 0 : i32
    return %c0_i32, %c0_i32_0, %c0_i32_1 : i32, i32, i32
  }
  func.func @transform_1(%arg0: i32) -> (i32, i32, i32) {
    %c0_i32 = arith.constant 0 : i32
    %c0_i32_0 = arith.constant 0 : i32
    %c0_i32_1 = arith.constant 0 : i32
    return %arg0, %c0_i32, %c0_i32_0 : i32, i32, i32
  }
  func.func @transform_2(%arg0: i32) -> (i32, i32, i32) {
    %c0_i32 = arith.constant 0 : i32
    %c0_i32_0 = arith.constant 0 : i32
    %c0_i32_1 = arith.constant 0 : i32
    return %arg0, %c0_i32, %c0_i32_0 : i32, i32, i32
  }
  func.func @transform_3(%arg0: i32) -> (i32, i32, i32) {
    %c0_i32 = arith.constant 0 : i32
    %c0_i32_0 = arith.constant 0 : i32
    %c0_i32_1 = arith.constant 0 : i32
    return %arg0, %c0_i32, %c0_i32_0 : i32, i32, i32
  }
  func.func @transform_4(%arg0: i32) -> (i32, i32, i32) {
    %c0_i32 = arith.constant 0 : i32
    %c0_i32_0 = arith.constant 0 : i32
    %c0_i32_1 = arith.constant 0 : i32
    return %arg0, %c0_i32, %c0_i32_0 : i32, i32, i32
  }
}

</mosaic_0001>

<sc_bundles>
// kernel: kernel.4.cloned.1.call-start
scs
__scs_entry_jumppad:
0x0: {  	(pc) =	sbr.rel $0x88, $3  }
0x1: {  	(tag) =	ssettag $0x0;
	lr =	simm.s32 $0x1  }
0x2: {  	[smem:$0x3F9B] =	sst lr;
	_ =	strace $0xD0000000  }
0x3: {  	_ = 	snop  }
0x4: {  	_ = 	snop  }
0x5: {  	_ = 	snop  }
0x6: {  	_ = 	snop  }
0x7: {  	_ = 	snop  }
__scs_overlays_trampoline_lowered:
0x8: {  	[smem:$0x3FAA] =	sst s0  }
0x9: {  	[smem:$0x3FAB] =	sst s1  }
0xa: {  	[smem:$0x3FAC] =	sst s2  }
0xb: {  	[smem:$0x3FAD] =	sst s3  }
0xc: {  	[smem:$0x3FAE] =	sst s4  }
0xd: {  	[smem:$0x3FAF] =	sst s5  }
0xe: {  	[smem:$0x3FB0] =	sst s6  }
0xf: {  	[smem:$0x3FB1] =	sst s7  }
0x10: {  	[smem:$0x3FB2] =	sst s8  }
0x11: {  	[smem:$0x3FB3] =	sst s9;
	s0 =	simm.s32 @!p0 $0x0  }
0x12: {  	s1 =	sld [smem:$0x3F99];
	s0 =	simm.s32 @p0 $0x1  }
0x13: {  	[smem:$0x3FB4] =	sst s0;
	s0 =	simm.s32 @!p1 $0x0  }
0x14: {  	s2 =	sld [smem:$0x3F98];
	s0 =	simm.s32 @p1 $0x1  }
0x15: {  	[smem:$0x3FB5] =	sst s0;
	s0 =	simm.s32 @!p2 $0x0  }
0x16: {  	s3 =	sld [smem:$0x3FDB];
	s0 =	simm.s32 @p2 $0x1  }
0x17: {  	s4 =	simm.s32 $0x1BF5;
	[smem:$0x3FB7] =	sst s0  }
0x18: {  	s0 =	sld [smem:$0x3F9A];
	_ =	swait.ge [sflag:s4], $0x0  }
0x19: {  	s7 =	sld [smem:$0x3F9B]  }
0x1a: {  	s8 =	sadd.s32 $0xFFFFE003, lr  }
0x1b: {  	s9 =	sadd.s32 $0xFFFFFEF7, lr;
	s5 =	simm.s32 $0xFFFFFFFF;
	p2 =	slt.u32 s8, $0xFFFFF086  }
0x1c: {  	p1 =	slt.u32 s9, $0xF7A;
	s5 =	simm.s32 @!p2 $0x0  }
0x1d: {  	s5 =	simm.s32 @p1 $0x1;
	p0 =	seq.s32 s7, s2  }
0x1e: {  	s7 =	smul.u32 @!p0 $0xF7A, s2;
	p2 =	seq.s32 @!p0 s5, $0x0  }
0x1f: {  	s9 =	smul.u32 $0xF7A, s1;
	s8 =	simm.s32 @!p0 $0x1BF5;
	p2 =	por !p2, p0  }
0x20: {  	[sflag:s8] =	ssyncset.s32 @!p0 $0xFFFFF086;
	s6 =	sadd.s32 @!p0 s3, s7;
	s7 =	simm.s32 @!p0 $0x108  }
0x21: {  	s3 =	sadd.s32 s3, s9;
	s6 =	sadd.s32 @!p0 $0x88, s6;
	s7 =	simm.s32 @p2 $0x1082  }
0x22: {  	[simem:s7], [sflag:s8] =	dma.local @!p0 [hbm:s6], $0xF7A  }
0x23: {  	s9 =	sor.u32 $0xD0000000, s2;
	s6 =	simm.s32 $0x108;
	_ =	swait.ge @!p0 [sflag:s8], $0x0  }
0x24: {  	s3 =	sadd.s32 $0x88, s3;
	s6 =	simm.s32 @!p1 $0x1082;
	[sflag:s4] =	ssyncset.s32 $0xFFFFF086  }
0x25: {  	[simem:s6], [sflag:s4] =	dma.local [hbm:s3], $0xF7A  }
0x26: {  	[smem:$0x3F9B] =	sst s1;
	(tag) =	ssettag s2;
	_ =	strace s9  }
0x27: {  	s1 =	sld [smem:$0x3FAB]  }
0x28: {  	s2 =	sld [smem:$0x3FAC]  }
0x29: {  	s4 =	sld [smem:$0x3FAE]  }
0x2a: {  	p0 =	seq.s32 s5, $0x0;
	s5 =	sld [smem:$0x3FAF]  }
0x2b: {  	s6 =	sld [smem:$0x3FB0]  }
0x2c: {  	s7 =	sld [smem:$0x3FB1]  }
0x2d: {  	s3 =	simm.s32 $0x108;
	s8 =	sld [smem:$0x3FB2]  }
0x2e: {  	s3 =	simm.s32 @!p0 $0x1082;
	s9 =	sld [smem:$0x3FB3]  }
0x2f: {  	lr =	sadd.s32 s0, s3;
	s0 =	sld [smem:$0x3FAA]  }
0x30: {  	s3 =	sld [smem:$0x3FAD]  }
0x31: {  	[smem:$0x3FB6] =	sst s10  }
0x32: {  	s10 =	sld [smem:$0x3FB4];
	_ =	sdelay $0x3  }
0x33: {  	p0 =	seq.s32 s10, $0x1;
	s10 =	sld [smem:$0x3FB6];
	_ =	sdelay $0x3  }
0x34: {  	[smem:$0x3FB6] =	sst s10  }
0x35: {  	s10 =	sld [smem:$0x3FB5];
	_ =	sdelay $0x3  }
0x36: {  	p1 =	seq.s32 s10, $0x1;
	s10 =	sld [smem:$0x3FB6];
	_ =	sdelay $0x3  }
0x37: {  	[smem:$0x3FB6] =	sst s10  }
0x38: {  	s10 =	sld [smem:$0x3FB7]  }
0x39: {  	_ = 	snop;
	(pc) =	sbr.ind lr, $3  }
0x3a: {  	_ = 	snop  }
0x3b: {  	_ = 	snop  }
0x3c: {  	p2 =	seq.s32 s10, $0x1;
	s10 =	sld [smem:$0x3FB6]  }
0x3d: {  	_ =	shalt  }
0x3e: {  	_ =	shalt  }
0x3f: {  	_ =	shalt  }
0x40: {  	_ =	shalt  }
0x41: {  	_ =	shalt  }
0x42: {  	_ =	shalt  }
0x43: {  	_ =	shalt  }
0x44: {  	_ =	shalt  }
0x45: {  	_ =	shalt  }
0x46: {  	_ =	shalt  }
0x47: {  	_ =	shalt  }
0x48: {  	_ =	shalt  }
0x49: {  	_ =	shalt  }
0x4a: {  	_ =	shalt  }
0x4b: {  	_ =	shalt  }
0x4c: {  	_ =	shalt  }
0x4d: {  	_ =	shalt  }
0x4e: {  	_ =	shalt  }
0x4f: {  	_ =	shalt  }
0x50: {  	_ =	shalt  }
0x51: {  	_ =	shalt  }
0x52: {  	_ =	shalt  }
0x53: {  	_ =	shalt  }
0x54: {  	_ =	shalt  }
0x55: {  	_ =	shalt  }
0x56: {  	_ =	shalt  }
0x57: {  	_ =	shalt  }
0x58: {  	_ =	shalt  }
0x59: {  	_ =	shalt  }
0x5a: {  	_ =	shalt  }
0x5b: {  	_ =	shalt  }
0x5c: {  	_ =	shalt  }
0x5d: {  	_ =	shalt  }
0x5e: {  	_ =	shalt  }
0x5f: {  	_ =	shalt  }
0x60: {  	_ =	shalt  }
0x61: {  	_ =	shalt  }
0x62: {  	_ =	shalt  }
0x63: {  	_ =	shalt  }
0x64: {  	_ =	shalt  }
0x65: {  	_ =	shalt  }
0x66: {  	_ =	shalt  }
0x67: {  	_ =	shalt  }
0x68: {  	_ =	shalt  }
0x69: {  	_ =	shalt  }
0x6a: {  	_ =	shalt  }
0x6b: {  	_ =	shalt  }
0x6c: {  	_ =	shalt  }
0x6d: {  	_ =	shalt  }
0x6e: {  	_ =	shalt  }
0x6f: {  	_ =	shalt  }
0x70: {  	_ =	shalt  }
0x71: {  	_ =	shalt  }
0x72: {  	_ =	shalt  }
0x73: {  	_ =	shalt  }
0x74: {  	_ =	shalt  }
0x75: {  	_ =	shalt  }
0x76: {  	_ =	shalt  }
0x77: {  	_ =	shalt  }
0x78: {  	_ =	shalt  }
0x79: {  	_ =	shalt  }
0x7a: {  	_ =	shalt  }
0x7b: {  	_ =	shalt  }
0x7c: {  	_ =	shalt  }
0x7d: {  	_ =	shalt  }
0x7e: {  	_ =	shalt  }
0x7f: {  	_ =	shalt  }
0x80: {  	_ =	shalt  }
0x81: {  	_ =	shalt  }
0x82: {  	_ =	shalt  }
0x83: {  	_ =	shalt  }
0x84: {  	_ =	shalt  }
0x85: {  	_ =	shalt  }
0x86: {  	_ =	shalt  }
0x87: {  	_ =	shalt  }
.Lfunc_end0:
.L_simem_size_0:
called_computation_lowered:
.L_overlay_start_0:
0x88: {  	s2 =	sld [smem:$0x3FD9]  }
0x89: {  	s3 =	sld [smem:$0x3FFE];
	_ =	sdelay $0x1  }
0x8a: {  	s1 =	srdreg.scid  }
0x8b: {  	s0 =	sand.u32 $0x1, s1  }
0x8c: {  	s16 =	sshll.u32 s0, $0xA;
	s2 =	sadd.s32 s3, s2  }
0x8d: {  	s2 =	sadd.s32 s2, s16  }
0x8e: {  	[smem:$0x3FC2] =	sst s2  }
0x8f: {  	_ = 	snop  }
0x90: {  	(tm) =	ssettm $0x1  }
0x91: {  	s17 =	sld [smem:$0x3FFB];
	_ =	sdelay $0x3  }
0x92: {  	_ =	strace s17  }
0x93: {  	s2 =	sld [smem:$0x3FFC];
	_ =	sdelay $0x3  }
0x94: {  	_ =	strace s2  }
0x95: {  	s2 =	sld [smem:$0x3FFD];
	_ =	sdelay $0x3  }
0x96: {  	_ =	strace s2  }
0x97: {  	_ =	strace $0x8FFFFFFF  }
0x98: {  	s18 =	sld [smem:$0x3FDB];
	_ =	sdelay $0x1  }
0x99: {  	s19 =	simm.s32 $_scs_section_size  }
0x9a: {  	s4 =	simm.s32 $_size__tile_overlayer_lowered;
	s5 =	simm.s32 $_tile_overlayer_lowered  }
0x9b: {  	s22 =	simm.s32 $0x1BFF;
	s21 =	sshll.u32 s5, $0x1;
	s2 =	sadd.s32 s19, s18  }
0x9c: {  	s6 =	simm.s32 $0x0;
	s20 =	sshll.u32 s4, $0x1;
	s4 =	sadd.s32 s21, s2  }
0x9d: {  	[timem:s6], [sflag:s22] =	dma.local [hbm:s4], s20  }
0x9e: {  	_ =	swait.ge [sflag:s22], s20  }
0x9f: {  	s3 =	ssub.s32 $0x0, s20;
	[sflag:s22] =	ssyncset.done $0x0  }
0xa0: {  	[sflag:s22] =	ssyncadd.s32 s3;
	_ =	sdelay $0x1  }
0xa1: {  	s23 =	simm.s32 $0x1B8B  }
0xa2: {  	_ =	swait.ge [sflag:s23], $0x1  }
0xa3: {  	[sflag:s23] =	ssyncset.done $0x0  }
0xa4: {  	s25 =	simm.s32 $0x1B8E;
	s24 =	sld [smem:$0x3FFE];
	[sflag:s23] =	ssyncadd.s32 $0xFFFFFFFF  }
0xa5: {  	s26 =	simm.s32 $execute0_lowered;
	[smem:$0x3FD2] =	sst s25  }
0xa6: {  	s4 =	sshll.u32 s26, $0x1;
	_ =	strace $0x80000046;
	[dreg:$0x1] =	wrdreg $0xFFFFFFFF  }
0xa7: {  	s28 =	simm.s32 $_size_execute0_lowered;
	s2 =	sadd.s32 s2, s4;
	[dreg:$0x0] =	wrdreg $0x0  }
0xa8: {  	s4 =	sshll.u32 s28, $0x1;
	[dreg:$0x2] =	wrdreg s2  }
0xa9: {  	[dreg:$0x3] =	wrdreg s4  }
0xaa: {  	[dreg:$0x4] =	wrdreg $0xC0  }
0xab: {  	_ =	task [dreg:s6], $0x5FFFF  }
0xac: {  	[dreg:$0x1] =	wrdreg $0xFFFFFFFF  }
0xad: {  	[dreg:$0x0] =	wrdreg $0x60  }
0xae: {  	[dreg:$0x2] =	wrdreg s24  }
0xaf: {  	[dreg:$0x3] =	wrdreg $0x9  }
0xb0: {  	_ =	task.clear_ibuf [dreg:s6], $0x4FFFF;
	_ =	strace $0x90000046  }
0xb1: {  	s29 =	simm.s32 $0x9;
	_ =	strace $0x80000048  }
0xb2: {  	_ =	swait.ge [sflag:s29], $0x1  }
0xb3: {  	[sflag:s29] =	ssyncadd.s32 $0xFFFFFFFF  }
0xb4: {  	_ =	strace $0x90000048  }
0xb5: {  	_ =	sfence  }
0xb6: {  	s30 =	sld [smem:$0x0];
	_ =	sdelay $0x2  }
0xb7: {  	s31 =	sshll.u32 s1, $0xD;
	s1 =	sshrl.u32 s1, $0x2  }
0xb8: {  	s3 =	sand.u32 $0x4000, s31;
	s1 =	sadd.s32 s1, s30  }
0xb9: {  	s0 =	sor.u32 s3, s0;
	s1 =	sshll.u32 s1, $0x11  }
0xba: {  	s0 =	sor.u32 s1, s0  }
0xbb: {  	s0 =	sadd.s32 $0x8F2B, s0  }
0xbc: {  	[sflag:s0] =	ssyncadd.remote.s32 $0x1  }
0xbd: {  	_ =	sfence.sel $0xFFFF  }
0xbe: {  	[dreg:$0x0] =	wrdreg $0xFFFFFFFF;
	(pc) =	sbr.abs _section_cstart, $3  }
0xbf: {  	[dreg:$0x1] =	wrdreg $0xFFFFFFFF  }
0xc0: {  	_ =	task.clear_ibuf [dreg:s6], $0x2FFFF;
	_ =	strace $0x9FFFFFFF  }
0xc1: {  	(tm) =	ssettm $0x7FFFFFFF  }
tec
execute0_lowered:
.L_overlay_start_1:
0x0: {  	(tag) =	ssettag $0x1  }
0x1: {  	s4 =	rddreg [dreg:$0x0]  }
0x2: {  	s1 =	srdreg.scid;
	s0 =	rddreg [dreg:$0x1];
	s2 =	simm.s32 $0x0  }
0x3: {  	s13 =	simm.s32 $0x1;
	s14 =	simm.s32 $0xB000;
	s15 =	simm.s32 $0x16000  }
0x4: {  	s5 =	sand.u32 $0x1, s1;
	s1 =	stileid.u32;
	[smem:$0x7FF] =	sst s2  }
0x5: {  	s10 =	sadd.s32 $0xE800, s4;
	s3 =	sshll.u32 s5, $0x4;
	_ =	strace $0x80000047  }
0x6: {  	s7 =	sshll.u32 s1, $0x4;
	s5 =	ssub.s32 $0x2, s5;
	s30 =	sshll.u32 s1, $0x5  }
0x7: {  	s11 =	sor.u32 s1, s3;
	s3 =	sadd.s32 $0x6A00, s4;
	s9 =	sshrl.u32 s5, $0x1  }
0x8: {  	s7 =	sadd.s32 s7, s4;
	s6 =	sadd.s32 $0xFFFFFFFC, s11;
	s12 =	ssub.s32 s5, s9  }
0x9: {  	s5 =	sadd.s32 $0x9000, s7;
	s16 =	sand.u32 $0x1C, s11;
	p0 =	sgt.u32 s11, $0x3  }
.Ltmp0:
0xa: {  	s11 =	simm.s32 $0x80;
	s8 =	sshll.u32 s6, $0x4;
	(pc) =	sbr.rel .LBB2_1-.Ltmp0, $4  }
0xb: {  	s31 =	sshll.u32 s6, $0x5;
	s6 =	sadd.s32 s10, s30;
	p1 =	sne.s32 s16, $0x4  }
0xc: {  	s16 =	simm.s32 $0x0;
	s8 =	sadd.s32 s8, s4;
	s4 =	sadd.s32 $0x1200, s7  }
0xd: {  	s9 =	sadd.s32 s31, s10;
	s10 =	smax.u32 s12, $0x1;
	s12 =	simm.s32 $0x200  }
0xe: {  	v0 =	vimm.s32 $0x0;
	s7 =	sadd.s32 $0x200, s8;
	s8 =	sadd.s32 $0x8000, s8;
	s9 =	sadd.s32 $0x10, s9  }
.LBB2_8:
0xf: {  	_ =	sdelay $0x4  }
0x10: {  	[tilespmem:v27+s14+$0x0] =	vst.idx.msk vm10, v28  }
0x11: {  	v41 =	vld [tilespmem:$0x1FF80];
	_ =	sdelay $0x2  }
0x12: {  	v30 =	vmov s26  }
0x13: {  	v30 =	vadd.s32 $0xFFFFFFFF, v30  }
0x14: {  	v31 =	vld [tilespmem:s20+$0x0];
	s24 =	sadd.s32 $0x40, s24;
	v30 =	vbroadcast v30, $0x0;
	vm1 =	vnez.u8 v41  }
0x15: {  	v32 =	vld [tilespmem:s20+$0xFFFFFFF0];
	s25 =	sand.u32 $0x7C0, s24;
	s24 =	sadd.s32 $0x40, s18  }
0x16: {  	vm13 =	vmmov vm13;
	v40 =	vld [tilespmem:s24+$0xFFFFFFF0];
	v22 =	vadd.s32 v22, v30  }
0x17: {  	v34 =	vnsel vm13, $0x0, v22  }
0x18: {  	v45 =	vld [tilespmem:s20+$0xFFFFFFE0]  }
0x19: {  	v28 =	vld [tilespmem:s17+$0xFFFFF800];
	[tilespmem:v13+s14+$0x0] =	vst.idx.msk vm14, v31  }
0x1a: {  	v46 =	vld [tilespmem:s22+$0x1800];
	[tilespmem:v25+s14+$0x0] =	vst.idx.msk vm1, v29;
	vm1 =	vmmov vm3  }
0x1b: {  	v51 =	vimm.s32 $0x0;
	v63 =	vld [tilespmem:s25+$0x1800];
	[tilespmem:v14+s14+$0x0] =	vst.idx.msk vm12, v32;
	vm14 =	vgt.f32 v40, $1.000000010e-01  }
0x1c: {  	v33, _, _ =	vpop (xrf0);
	v35 =	vld [tilespmem:s24+$0xFFFFFFE0];
	v27 =	vsel vm14, $0xFFFFFFFF, v51;
	[tilespmem:v34+s14+$0x0] =	vst.idx.msk vm13, v9  }
0x1d: {  	(v2sf) =	vpush v33, $0xF;
	v50 =	vld [tilespmem:s19+$0xFFFFEFE0];
	[tilespmem:$0x1FF50] =	vst v27  }
0x1e: {  	s30 =	sadd.s32 s26, s28;
	s31 =	spop (v2sf);
	[tilespmem:v23+s14+$0x0] =	vst.idx.msk vm10, v28  }
0x1f: {  	v42 =	vmov s30;
	s26 =	sadd.s32 s30, s31;
	[tilespmem:v24+s14+$0x0] =	vst.idx.msk vm7, v26  }
0x20: {  	v43 =	vadd.s32 $0xFFFFFFFF, v42;
	v36 =	vmov s26;
	v25, _, _ =	vpop (xrf0);
	[tilespmem:v4+s14+$0x0] =	vst.idx.msk vm1, v45  }
0x21: {  	s29 =	spop (v2sf);
	v44 =	vadd.s32 $0xFFFFFFFF, v36;
	v56 =	vbroadcast v43, $0x0;
	(v2sf) =	vpush v25, $0xF;
	v22, _, _ =	vpop (xrf0);
	v4 =	vld [tilespmem:$0x1FF90]  }
0x22: {  	s20 =	sadd.s32 s26, s29;
	vm3 =	vmmov vm4;
	vm4 =	vmmov vm2;
	(v2sf) =	vpush v22, $0xF  }
0x23: {  	v53 =	vmov s20;
	v13 =	vbroadcast v44, $0x0;
	v48 =	vadd.s32 $0x800, v34  }
0x24: {  	v55 =	vadd.s32 $0xFFFFFFFF, v53;
	v58 =	vadd.s32 v15, v56;
	vm6 =	vgt.f32 v63, $1.000000010e-01;
	v27 =	vld [tilespmem:s21+$0x800]  }
0x25: {  	vm12 =	vgt.f32 v35, $1.000000010e-01;
	v13 =	vadd.s32 v19, v13;
	v47 =	vsel vm6, $0x1, v0;
	v57 =	vld [tilespmem:s17+$0xFFFFF7E0]  }
0x26: {  	v49 =	vsel vm12, $0x1, v0;
	vm10 =	vmmov vm10;
	v24 =	vld [tilespmem:s17+$0xFFFFF7F0];
	vm1 =	vnez.u8 v4  }
0x27: {  	v52 =	vsel vm14, $0x1, v0;
	(xrf0) =	vadd.scan.msk.s32 $0xffff, v47;
	v54 =	vld [tilespmem:s17+$0x0];
	[tilespmem:v2+s14+$0x0] =	vst.idx.msk vm11, v46;
	vm14 =	vmmov vm1  }
0x28: {  	(xrf0) =	vadd.scan.msk.s32 $0xffff, v49;
	v2 =	vbroadcast v55, $0x0;
	[tilespmem:v48+s14+$0x0] =	vst.idx.msk vm4, v50;
	v13 =	vnsel vm14, $0x0, v13  }
0x29: {  	v9 =	vnsel vm5, $0x0, v58;
	(xrf0) =	vadd.scan.msk.s32 $0xffff, v52;
	[tilespmem:v21+s14+$0x0] =	vst.idx.msk vm9, v27  }
0x2a: {  	[tilespmem:v16+s14+$0x0] =	vst.idx.msk vm3, v57;
	v59 =	vld [tilespmem:s21+$0x1000];
	v2 =	vadd.s32 v33, v2  }
0x2b: {  	vm4 =	vmmov vm0;
	vm0 =	vmmov vm7;
	[tilespmem:v18+s14+$0x0] =	vst.idx.msk vm7, v24;
	v2 =	vnsel vm8, $0x0, v2  }
0x2c: {  	v26, _, _ =	vpop (xrf0);
	s30 =	spop (v2sf);
	[tilespmem:v20+s14+$0x0] =	vst.idx.msk vm10, v54;
	vm10 =	vmmov vm15;
	vm15 =	vmmov vm3;
	v63 =	vld [tilespmem:s17+$0xFFFFFFF0]  }
0x2d: {  	v60 =	vadd.s32 $0x800, v9;
	(v2sf) =	vpush v26, $0xF;
	s20 =	sadd.s32 s20, s30;
	v14, _, _ =	vpop (xrf0);
	v38 =	vld [tilespmem:s17+$0xFFFFFFE0];
	vm11 =	vmmov vm14;
	[tilespmem:v13+s14+$0x0] =	vst.idx.msk vm1, v5  }
0x2e: {  	v40 =	vmov s20;
	[tilespmem:v9+s14+$0x0] =	vst.idx.msk vm5, v3;
	(v2sf) =	vpush v14, $0xF;
	v19, _, _ =	vpop (xrf0);
	v62 =	vadd.s32 $0x800, v13;
	v3 =	vld [tilespmem:s19+$0xFFFFF000]  }
0x2f: {  	v61 =	vld [tilespmem:s24+$0x0];
	v43 =	vadd.s32 $0xFFFFFFFF, v40;
	vm7 =	vmmov vm5;
	(v2sf) =	vpush v19, $0xF;
	v21, _, _ =	vpop (xrf0);
	[tilespmem:v11+s14+$0x0] =	vst.idx.msk vm9, v59  }
0x30: {  	v42 =	vld [tilespmem:s19+$0xFFFFEFF0];
	v15 =	vbroadcast v43, $0x0;
	(v2sf) =	vpush v21, $0xF;
	[tilespmem:v2+s14+$0x0] =	vst.idx.msk vm8, v17;
	s31 =	spop (v2sf);
	vm1 =	vmmov vm8  }
0x31: {  	v36 =	vadd.s32 $0x800, v2;
	v41 =	vadd.s32 $0x1000, v2;
	[tilespmem:v12+s14+$0x0] =	vst.idx.msk vm0, v63;
	v48 =	vld [tilespmem:s23+$0x800];
	s22 =	spop (v2sf);
	s17 =	sadd.s32 s20, s31  }
0x32: {  	v46 =	vadd.s32 $0x1800, v2;
	v45 =	vld [tilespmem:s21+$0x1800];
	vm0 =	vmmov vm4;
	[tilespmem:v10+s14+$0x0] =	vst.idx.msk vm15, v38;
	v2 =	vadd.s32 v25, v15;
	s20 =	sadd.s32 s17, s22  }
0x33: {  	vm13 =	vmmov vm13;
	v54 =	vld [tilespmem:s19+$0xFFFFF7E0];
	v2 =	vnsel vm0, $0x0, v2;
	v50 =	vmov s20;
	[tilespmem:v62+s14+$0x0] =	vst.idx.msk vm11, v3  }
0x34: {  	v44 =	vadd.s32 $0x1000, v34;
	v5 =	vadd.s32 $0xFFFFFFFF, v50;
	v3 =	vld [tilespmem:$0x1FFA0]  }
0x35: {  	v39 =	vadd.s32 $0x1000, v13;
	v5 =	vbroadcast v5, $0x0;
	[tilespmem:v60+s14+$0x0] =	vst.idx.msk vm7, v42;
	v51 =	vld [tilespmem:s19+$0xFFFFF800]  }
0x36: {  	v37 =	vadd.s32 $0x1000, v9;
	[tilespmem:v36+s14+$0x0] =	vst.idx.msk vm1, v48;
	v52 =	vld [tilespmem:s19+$0xFFFFF7F0]  }
0x37: {  	vm14 =	vmmov vm9;
	v5 =	vadd.s32 v26, v5;
	[tilespmem:v8+s14+$0x0] =	vst.idx.msk vm9, v45;
	vm9 =	vmmov vm10;
	v55 =	vld [tilespmem:s23+$0x1000]  }
0x38: {  	[tilespmem:v2+s14+$0x0] =	vst.idx.msk vm4, v6;
	v5 =	vnsel vm9, $0x0, v5  }
0x39: {  	v58 =	vadd.s32 $0x800, v2;
	[tilespmem:v44+s14+$0x0] =	vst.idx.msk vm13, v54;
	v59 =	vld [tilespmem:s18+$0xFFFFEFE0]  }
0x3a: {  	vm2 =	vmmov vm6;
	v47 =	vadd.s32 $0x1800, v34;
	vm3 =	vmmov vm11;
	v20 =	vld [tilespmem:s19+$0xFFFFFFE0];
	[tilespmem:v39+s14+$0x0] =	vst.idx.msk vm11, v51  }
0x3b: {  	vm14 =	vgt.f32 v61, $1.000000010e-01;
	v13 =	vadd.s32 $0x1800, v13;
	[tilespmem:v37+s14+$0x0] =	vst.idx.msk vm7, v52;
	vm7 =	vmmov vm7;
	v60 =	vld [tilespmem:s19+$0x0]  }
0x3c: {  	v49 =	vadd.s32 $0x1800, v9;
	vm6 =	vmmov vm14;
	s26 =	spop (v2sf);
	vm15 =	vmmov vm1;
	[tilespmem:v41+s14+$0x0] =	vst.idx.msk vm1, v55;
	v62 =	vld [tilespmem:s19+$0xFFFFFFF0]  }
0x3d: {  	v53 =	vmov s17;
	s17 =	sadd.s32 s20, s26;
	s28 =	spop (v2sf);
	vm8 =	vnez.u8 v3;
	v3 =	vsel vm14, $0x1, v0;
	[tilespmem:v5+s14+$0x0] =	vst.idx.msk vm9, v7;
	v24 =	vld [tilespmem:s23+$0x1800]  }
0x3e: {  	v56 =	vmov s17;
	s17 =	sadd.s32 s17, s28;
	s29 =	spop (v2sf);
	(xrf0) =	vadd.scan.msk.s32 $0xffff, v3;
	v3 =	vadd.s32 $0xFFFFFFFF, v53;
	[tilespmem:v58+s14+$0x0] =	vst.idx.msk vm4, v59  }
0x3f: {  	v57 =	vadd.s32 $0xFFFFFFFF, v56;
	v61 =	vmov s17;
	s20 =	sadd.s32 s17, s29;
	s30 =	spop (v2sf);
	[tilespmem:v47+s14+$0x0] =	vst.idx.msk vm13, v20;
	v3 =	vbroadcast v3, $0x0  }
0x40: {  	v6 =	vbroadcast v57, $0x0;
	v18 =	vadd.s32 $0xFFFFFFFF, v61;
	s17 =	sadd.s32 s20, s30;
	v26 =	vmov s20;
	[tilespmem:v13+s14+$0x0] =	vst.idx.msk vm3, v60  }
0x41: {  	v23 =	vmov s17;
	vm5 =	vmmov vm8;
	v3 =	vadd.s32 v22, v3;
	[tilespmem:v49+s14+$0x0] =	vst.idx.msk vm7, v62  }
0x42: {  	v32 =	vld [tilespmem:s24+$0xFFFFE7D0];
	v27 =	vadd.s32 $0xFFFFFFFF, v26;
	v6 =	vadd.s32 v14, v6;
	v3 =	vnsel vm5, $0x0, v3;
	[tilespmem:v46+s14+$0x0] =	vst.idx.msk vm15, v24  }
0x43: {  	v8 =	vadd.s32 $0xFFFFFFFF, v23;
	v6 =	vnsel vm2, $0x0, v6;
	v22 =	vbroadcast v18, $0x0;
	v34 =	vld [tilespmem:$0x1FF50]  }
0x44: {  	v63 =	vadd.s32 $0x800, v5;
	v8 =	vbroadcast v8, $0x0;
	vm8 =	vmmov vm12  }
0x45: {  	vm14 =	vmmov vm13;
	v25 =	vld [tilespmem:s18+$0xFFFFF000];
	vm4 =	vmmov vm8;
	v7 =	vadd.s32 v19, v22;
	v29, _, _ =	vpop (xrf0)  }
0x46: {  	v28 =	vld [tilespmem:s24+$0xFFFFE7E0];
	vm14 =	vmmov vm6;
	v7 =	vnsel vm4, $0x0, v7;
	v8 =	vadd.s32 v29, v8  }
0x47: {  	v33 =	vld [tilespmem:s24+$0xFFFFE800];
	v10 =	vbroadcast v27, $0x0;
	vm6 =	vmmov vm5;
	v8 =	vnsel vm14, $0x0, v8;
	[tilespmem:v3+s14+$0x0] =	vst.idx.msk vm5, v1  }
0x48: {  	v38 =	vadd.s32 $0x800, v3;
	[tilespmem:v6+s14+$0x0] =	vst.idx.msk vm2, v32;
	vm2 =	vmmov vm2;
	v39 =	vld [tilespmem:s18+$0xFFFFEFF0];
	vm15 =	vnez.u8 v34  }
0x49: {  	v10 =	vadd.s32 v21, v10;
	v42 =	vadd.s32 $0x800, v6;
	v43 =	vld [tilespmem:s25+$0x800];
	vm7 =	vmmov vm15  }
0x4a: {  	v35 =	vld [tilespmem:s24+$0xFFFFE7F0];
	vm1 =	vmmov vm9;
	[tilespmem:v63+s14+$0x0] =	vst.idx.msk vm9, v25;
	v36 =	vnsel vm7, $0x0, v10  }
0x4b: {  	vm0 =	vmmov vm0;
	v37 =	vadd.s32 $0x1000, v5;
	v1 =	vld [tilespmem:s18+$0xFFFFF800];
	[tilespmem:v7+s14+$0x0] =	vst.idx.msk vm4, v28  }
0x4c: {  	v50 =	vadd.s32 $0x1000, v2;
	v51 =	vld [tilespmem:s18+$0xFFFFF7E0];
	[tilespmem:v8+s14+$0x0] =	vst.idx.msk vm14, v33  }
0x4d: {  	v40 =	vadd.s32 $0x800, v7;
	v41 =	vld [tilespmem:s24+$0xFFFFEFE0];
	[tilespmem:v38+s14+$0x0] =	vst.idx.msk vm6, v39  }
0x4e: {  	vm11 =	vmmov vm14;
	v48 =	vadd.s32 $0x1000, v3;
	[tilespmem:v42+s14+$0x0] =	vst.idx.msk vm2, v43;
	v49 =	vld [tilespmem:s18+$0xFFFFF7F0]  }
0x4f: {  	v44 =	vadd.s32 $0x800, v8;
	v45 =	vld [tilespmem:s24+$0xFFFFF000];
	[tilespmem:v36+s14+$0x0] =	vst.idx.msk vm7, v35  }
0x50: {  	(v2sf) =	vpush v29, $0xF;
	[tilespmem:v37+s14+$0x0] =	vst.idx.msk vm1, v1;
	v1 =	vadd.s32 $0x800, v36;
	v46 =	vld [tilespmem:s24+$0xFFFFEFF0]  }
0x51: {  	v52 =	vadd.s32 $0x1000, v6;
	[tilespmem:v50+s14+$0x0] =	vst.idx.msk vm0, v51;
	vm1 =	vmmov vm1;
	v18 =	vld [tilespmem:s25+$0x1000]  }
0x52: {  	v5 =	vadd.s32 $0x1800, v5;
	vm14 =	vmmov vm4;
	v47 =	vld [tilespmem:s18+$0x0];
	[tilespmem:v40+s14+$0x0] =	vst.idx.msk vm12, v41  }
0x53: {  	v55 =	vadd.s32 $0x1000, v7;
	v56 =	vld [tilespmem:s24+$0xFFFFF7E0];
	[tilespmem:v48+s14+$0x0] =	vst.idx.msk vm6, v49  }
0x54: {  	v3 =	vadd.s32 $0x1800, v3;
	[tilespmem:v44+s14+$0x0] =	vst.idx.msk vm11, v45;
	v57 =	vld [tilespmem:s18+$0xFFFFFFF0]  }
0x55: {  	v53 =	vadd.s32 $0x1000, v8;
	[tilespmem:v1+s14+$0x0] =	vst.idx.msk vm7, v46;
	v1 =	vld [tilespmem:s24+$0xFFFFF800]  }
0x56: {  	v54 =	vadd.s32 $0x1000, v36;
	[tilespmem:v52+s14+$0x0] =	vst.idx.msk vm2, v18;
	v10 =	vld [tilespmem:s24+$0xFFFFF7F0]  }
0x57: {  	vm0 =	vmmov vm0;
	[tilespmem:v5+s14+$0x0] =	vst.idx.msk vm1, v47  }
0x58: {  	v2 =	vadd.s32 $0x1800, v2;
	v58 =	vld [tilespmem:s18+$0xFFFFFFE0];
	vm2 =	vmmov vm2;
	[tilespmem:v55+s14+$0x0] =	vst.idx.msk vm14, v56  }
0x59: {  	v6 =	vadd.s32 $0x1800, v6;
	vm5 =	vmmov vm12;
	v59 =	vld [tilespmem:s25+$0x1800];
	vm1 =	vmmov vm14;
	[tilespmem:v3+s14+$0x0] =	vst.idx.msk vm6, v57  }
0x5a: {  	vm5 =	vmmov vm11;
	vm13 =	vmmov vm7;
	v63 =	vld [tilespmem:s24+$0xFFFFFFE0];
	v3 =	vadd.s32 $0x1800, v7;
	[tilespmem:v53+s14+$0x0] =	vst.idx.msk vm11, v1  }
0x5b: {  	vm3 =	vmmov vm13;
	v1 =	vadd.s32 $0x1800, v8;
	[tilespmem:v54+s14+$0x0] =	vst.idx.msk vm7, v10;
	v60 =	vld [tilespmem:s24+$0x0]  }
0x5c: {  	v61 =	vadd.s32 $0x1800, v36;
	v62 =	vld [tilespmem:s24+$0xFFFFFFF0]  }
0x5d: {  	[tilespmem:v2+s14+$0x0] =	vst.idx.msk vm0, v58  }
0x5e: {  	[tilespmem:v6+s14+$0x0] =	vst.idx.msk vm2, v59  }
0x5f: {  	s31 =	spop (v2sf);
	[tilespmem:v3+s14+$0x0] =	vst.idx.msk vm1, v63  }
0x60: {  	s17 =	sadd.s32 s17, s31;
	[tilespmem:v1+s14+$0x0] =	vst.idx.msk vm5, v60  }
0x61: {  	v1 =	vmov s17;
	[tilespmem:v61+s14+$0x0] =	vst.idx.msk vm3, v62  }
0x62: {  	[tilespmem:$0x16000] =	vst v1  }
0x63: {  	[hbm4b:s8+s11] =	stream.strided.scatter [tilespmem:s14], [sflag:$0x1], $0x2000, s12, s11, $0x38;
	[tilespmem:$0x16080] =	vst v63  }
0x64: {  	_ =	swait.ge [sflag:s13], $0x2000  }
0x65: {  	[sflag:s13] =	ssyncset.done $0x0  }
0x66: {  	[sflag:s13] =	ssyncadd.s32 $0xFFFFE000  }
0x67: {  	[hbm4b:s9+s2] =	stream.linear.scatter [tilespmem:s15], [sflag:$0x1], $0x80, $0x38;
	[tilespmem:$0x16080] =	vst v63  }
0x68: {  	_ =	swait.ge [sflag:s13], $0x80  }
0x69: {  	[sflag:s13] =	ssyncset.done $0x0  }
0x6a: {  	vm15 =	vmmov vm6;
	[sflag:s13] =	ssyncadd.s32 $0xFFFFFF80  }
.LBB2_9:
0x6b: {  	s16 =	sadd.s32 $0x1, s16  }
0x6c: {  	p2 =	sne.s32 s16, s10  }
.Ltmp1:
0x6d: {  	_ = 	snop;
	(pc) =	sbr.rel @!p2 .LBB2_10-.Ltmp1, $1  }
0x6e: {  	_ =	sdelay $0x3  }
.LBB2_1:
.Ltmp2:
0x6f: {  	(pc) =	sbr.rel @p0 .LBB2_5-.Ltmp2, $1  }
0x70: {  	_ =	sdelay $0x3  }
0x71: {  	s19 =	simm.s32 $0x0  }
0x72: {  	[tilespmem:s19], [sflag:$0x1] =	stream.strided.gather [hbm4b:s4+s11], $0xB000, s12, s11, $0x38;
	[tilespmem:$0x16080] =	vst v63  }
0x73: {  	_ =	swait.ge [sflag:s13], $0xB000  }
0x74: {  	[sflag:s13] =	ssyncset.done $0x0  }
0x75: {  	[sflag:s13] =	ssyncadd.s32 $0xFFFF5000  }
0x76: {  	[tilespmem:s14], [sflag:$0x1] =	stream.linear.gather [hbm4b:s3+s19], $0xB000, $0x38;
	[tilespmem:$0x16080] =	vst v63  }
0x77: {  	_ =	swait.ge [sflag:s13], $0xB000  }
0x78: {  	[sflag:s13] =	ssyncset.done $0x0  }
0x79: {  	s18 =	sand.u32 $0x3FC0, s19;
	[sflag:s13] =	ssyncadd.s32 $0xFFFF5000  }
0x7a: {  	s21 =	simm.s32 $0x8430;
	v1 =	vld [tilespmem:s18+$0x8400]  }
0x7b: {  	v2 =	vld [tilespmem:s21+$0xFFFFFFE0]  }
0x7c: {  	v3 =	vld [tilespmem:s21+$0xFFFFFFF0];
	_ =	sdelay $0x1  }
0x7d: {  	v4 =	vld [tilespmem:s21+$0x0]  }
0x7e: {  	vm1 =	vgt.f32 v1, $1.000000010e-01  }
0x7f: {  	vm0 =	vgt.f32 v2, $1.000000010e-01;
	v1 =	vsel vm1, $0x1, v0  }
0x80: {  	vm5 =	vgt.f32 v3, $1.000000010e-01;
	(xrf0) =	vadd.scan.msk.s32 $0xffff, v1;
	v1 =	vsel vm0, $0x1, v0  }
0x81: {  	v2 =	vsel vm5, $0x1, v0;
	(xrf0) =	vadd.scan.msk.s32 $0xffff, v1  }
0x82: {  	vm6 =	vgt.f32 v4, $1.000000010e-01;
	(xrf0) =	vadd.scan.msk.s32 $0xffff, v2  }
0x83: {  	v1 =	vsel vm6, $0x1, v0;
	_ =	sdelay $0x2  }
0x84: {  	s17 =	simm.s32 $0x40;
	(xrf0) =	vadd.scan.msk.s32 $0xffff, v1;
	v1, _, _ =	vpop (xrf0)  }
0x85: {  	s22 =	sand.u32 $0x3FC0, s17;
	(v2sf) =	vpush v1, $0xF;
	v2, _, _ =	vpop (xrf0)  }
0x86: {  	s17 =	simm.s32 $0x8470;
	v5 =	vld [tilespmem:s22+$0x8400];
	(v2sf) =	vpush v2, $0xF;
	v3, _, _ =	vpop (xrf0)  }
0x87: {  	v6 =	vld [tilespmem:s17+$0xFFFFFFE0];
	(v2sf) =	vpush v3, $0xF;
	_ =	sdelay $0x1  }
0x88: {  	v7 =	vld [tilespmem:s17+$0xFFFFFFF0]  }
0x89: {  	v4, _, _ =	vpop (xrf0)  }
0x8a: {  	vm8 =	vgt.f32 v5, $1.000000010e-01;
	v1 =	vadd.s32 s19, v1;
	(v2sf) =	vpush v4, $0xF  }
0x8b: {  	v8 =	vld [tilespmem:s17+$0x0];
	vm2 =	vgt.f32 v6, $1.000000010e-01;
	v5 =	vsel vm8, $0x1, v0;
	v1 =	vshll.u32 v1, $0x2  }
0x8c: {  	v6 =	vsel vm2, $0x1, v0;
	vm7 =	vmmov vm1;
	(xrf0) =	vadd.scan.msk.s32 $0xffff, v5;
	v1 =	vadd.s32 $0xFFFFFFFC, v1  }
0x8d: {  	vm3 =	vgt.f32 v7, $1.000000010e-01;
	(xrf0) =	vadd.scan.msk.s32 $0xffff, v6;
	v6 =	vld [tilespmem:s21+$0xFFFF7BD0];
	v7 =	vnsel vm7, $0x0, v1;
	_ =	sdelay $0x2  }
0x8e: {  	vm4 =	vgt.f32 v8, $1.000000010e-01;
	v5 =	vsel vm3, $0x1, v0  }
0x8f: {  	(xrf0) =	vadd.scan.msk.s32 $0xffff, v5;
	v5 =	vsel vm4, $0x1, v0  }
0x90: {  	(xrf0) =	vadd.scan.msk.s32 $0xffff, v5;
	[tilespmem:v7+s14+$0x0] =	vst.idx.msk vm7, v6  }
0x91: {  	vm1 =	vmmov vm0;
	vm10 =	vmmov vm5;
	v8 =	vor.u32 $0x1, v7;
	v16 =	vld [tilespmem:s18+$0x2C00];
	s30 =	spop (v2sf)  }
0x92: {  	v9 =	vld [tilespmem:s21+$0xFFFF7BE0];
	vm5 =	vmmov vm6;
	vm9 =	vmmov vm8;
	vm14 =	vmmov vm2;
	s19 =	sadd.s32 $0x0, s30;
	s20 =	spop (v2sf)  }
0x93: {  	v10 =	vld [tilespmem:s21+$0xFFFF7BF0];
	vm0 =	vmmov vm7;
	vm11 =	vmmov vm10;
	v11, _, _ =	vpop (xrf0);
	v1 =	vadd.s32 s19, v2;
	s19 =	sadd.s32 s19, s20;
	s31 =	spop (v2sf)  }
0x94: {  	v12 =	vld [tilespmem:s21+$0xFFFF7C00];
	vm6 =	vmmov vm1;
	v13, _, _ =	vpop (xrf0);
	(v2sf) =	vpush v11, $0xF;
	v3 =	vadd.s32 s19, v3;
	s19 =	sadd.s32 s19, s31  }
0x95: {  	v26 =	vld [tilespmem:s17+$0xFFFF7BF0];
	v5 =	vor.u32 $0x2, v7;
	v15, _, _ =	vpop (xrf0);
	(v2sf) =	vpush v13, $0xF;
	v4 =	vadd.s32 s19, v4  }
0x96: {  	s23 =	simm.s32 $0x80;
	v27 =	vld [tilespmem:s17+$0xFFFF7C00];
	v25 =	vor.u32 $0x3, v7;
	v7, _, _ =	vpop (xrf0);
	[tilespmem:v8+s14+$0x0] =	vst.idx.msk vm7, v16;
	(v2sf) =	vpush v15, $0xF;
	v4 =	vshll.u32 v4, $0x2  }
0x97: {  	v16 =	vld [tilespmem:s18+$0x5800];
	s20 =	sand.u32 $0x3FC0, s23;
	v14 =	vshll.u32 v1, $0x2;
	s24 =	spop (v2sf);
	(v2sf) =	vpush v7, $0xF;
	v4 =	vadd.s32 $0xFFFFFFFC, v4  }
0x98: {  	vm3 =	vmmov vm3;
	v6 =	vadd.s32 $0xFFFFFFFC, v14;
	s24 =	sadd.s32 s19, s24;
	v14 =	vld [tilespmem:s20+$0x8400];
	s19 =	simm.s32 $0x84B0;
	v4 =	vnsel vm5, $0x0, v4  }
0x99: {  	vm7 =	vmmov vm5;
	v3 =	vshll.u32 v3, $0x2;
	v11 =	vadd.s32 s24, v11;
	v18 =	vld [tilespmem:s19+$0xFFFFFFF0]  }
0x9a: {  	v3 =	vadd.s32 $0xFFFFFFFC, v3;
	v17 =	vld [tilespmem:s19+$0xFFFFFFE0];
	v6 =	vnsel vm6, $0x0, v6;
	v11 =	vshll.u32 v11, $0x2  }
0x9b: {  	v2 =	vld [tilespmem:s17+$0xFFFF7BD0];
	v3 =	vnsel vm10, $0x0, v3;
	v22 =	vor.u32 $0x1, v6;
	v11 =	vadd.s32 $0xFFFFFFFC, v11  }
0x9c: {  	v20 =	vld [tilespmem:s19+$0x0];
	v28 =	vor.u32 $0x2, v6;
	v29 =	vor.u32 $0x2, v3;
	v11 =	vnsel vm9, $0x0, v11  }
0x9d: {  	v1 =	vld [tilespmem:s17+$0xFFFF7BE0];
	v19 =	vor.u32 $0x1, v4;
	v23 =	vor.u32 $0x2, v4;
	v21 =	vor.u32 $0x1, v11;
	[tilespmem:v4+s14+$0x0] =	vst.idx.msk vm5, v12  }
0x9e: {  	vm13 =	vgt.f32 v14, $1.000000010e-01;
	v14 =	vor.u32 $0x1, v3;
	vm8 =	vgt.f32 v18, $1.000000010e-01;
	v18 =	vld [tilespmem:s21+$0xFFFFA800]  }
0x9f: {  	v31 =	vld [tilespmem:s19+$0xFFFF7BD0];
	v30 =	vor.u32 $0x2, v11;
	v8 =	vsel vm13, $0x1, v0;
	vm12 =	vgt.f32 v17, $1.000000010e-01  }
0xa0: {  	(xrf0) =	vadd.scan.msk.s32 $0xffff, v8;
	v8 =	vld [tilespmem:s19+$0xFFFF7BE0];
	v17 =	vsel vm8, $0x1, v0;
	[tilespmem:v3+s14+$0x0] =	vst.idx.msk vm10, v10;
	vm10 =	vmmov vm12  }
0xa1: {  	[tilespmem:v6+s14+$0x0] =	vst.idx.msk vm6, v9;
	v12 =	vsel vm12, $0x1, v0;
	vm5 =	vgt.f32 v20, $1.000000010e-01;
	v9 =	vld [tilespmem:s21+$0xFFFFA7F0];
	vm12 =	vmmov vm9  }
0xa2: {  	(xrf0) =	vadd.scan.msk.s32 $0xffff, v12;
	v12 =	vor.u32 $0x3, v4;
	v4 =	vor.u32 $0x3, v11;
	[tilespmem:v11+s14+$0x0] =	vst.idx.msk vm9, v2;
	v11 =	vld [tilespmem:s21+$0xFFFFA7E0]  }
0xa3: {  	v20 =	vsel vm5, $0x1, v0;
	(xrf0) =	vadd.scan.msk.s32 $0xffff, v17;
	v17 =	vld [tilespmem:s22+$0x2C00];
	s25 =	spop (v2sf);
	[tilespmem:v19+s14+$0x0] =	vst.idx.msk vm7, v18;
	v18 =	vimm.s32 $0x0  }
0xa4: {  	vm15 =	vmmov vm13;
	v10 =	vor.u32 $0x3, v3;
	v3 =	vld [tilespmem:s19+$0xFFFF7C00];
	s23 =	sadd.s32 s24, s25;
	s26 =	spop (v2sf);
	v18 =	vsel vm14, $0xFFFFFFFF, v18  }
0xa5: {  	vm13 =	vmmov vm6;
	vm6 =	vmmov vm14;
	v2 =	vld [tilespmem:s19+$0xFFFF7BF0];
	v13 =	vadd.s32 s23, v13;
	s23 =	sadd.s32 s23, s26;
	s29 =	spop (v2sf);
	[tilespmem:$0x1FFC0] =	vst v18  }
0xa6: {  	vm9 =	vmmov vm4;
	(xrf0) =	vadd.scan.msk.s32 $0xffff, v20;
	v20, _, _ =	vpop (xrf0);
	v15 =	vadd.s32 s23, v15;
	s23 =	sadd.s32 s23, s29;
	s30 =	spop (v2sf);
	[tilespmem:v14+s14+$0x0] =	vst.idx.msk vm11, v9  }
0xa7: {  	(v2sf) =	vpush v20, $0xF;
	v13 =	vshll.u32 v13, $0x2;
	v7 =	vadd.s32 s23, v7;
	s25 =	sadd.s32 s23, s30;
	v9 =	vld [tilespmem:s21+$0xFFFFD400];
	[tilespmem:v22+s14+$0x0] =	vst.idx.msk vm1, v11  }
0xa8: {  	v7 =	vshll.u32 v7, $0x2;
	v14 =	vshll.u32 v15, $0x2;
	v15 =	vadd.s32 s25, v20;
	[tilespmem:v21+s14+$0x0] =	vst.idx.msk vm12, v17;
	v11 =	vld [tilespmem:s21+$0xFFFFD3F0]  }
0xa9: {  	v32, _, _ =	vpop (xrf0);
	v13 =	vadd.s32 $0xFFFFFFFC, v13;
	v7 =	vadd.s32 $0xFFFFFFFC, v7;
	[tilespmem:v5+s14+$0x0] =	vst.idx.msk vm0, v16;
	v17 =	vld [tilespmem:s21+$0xFFFFD3E0];
	v5 =	vshll.u32 v15, $0x2  }
0xaa: {  	(v2sf) =	vpush v32, $0xF;
	v7 =	vnsel vm9, $0x0, v7;
	v5 =	vadd.s32 $0xFFFFFFFC, v5  }
0xab: {  	v33, _, _ =	vpop (xrf0);
	v14 =	vadd.s32 $0xFFFFFFFC, v14;
	v37 =	vnsel vm15, $0x0, v5;
	v5 =	vnsel vm6, $0x0, v13  }
0xac: {  	s24 =	simm.s32 $0xC0;
	(v2sf) =	vpush v33, $0xF;
	v19, _, _ =	vpop (xrf0);
	v34 =	vld [tilespmem:s22+$0x5800];
	v35 =	vnsel vm3, $0x0, v14;
	[tilespmem:v23+s14+$0x0] =	vst.idx.msk vm7, v9  }
0xad: {  	s23 =	sand.u32 $0x3FC0, s24;
	(v2sf) =	vpush v19, $0xF;
	v36 =	vld [tilespmem:s18+$0x8400];
	[tilespmem:v29+s14+$0x0] =	vst.idx.msk vm11, v11  }
0xae: {  	vm2 =	vmmov vm11;
	v6 =	vor.u32 $0x3, v6;
	s18 =	simm.s32 $0x84F0;
	v9 =	vld [tilespmem:s23+$0x8400];
	[tilespmem:v28+s14+$0x0] =	vst.idx.msk vm13, v17  }
0xaf: {  	vm4 =	vmmov vm3;
	vm1 =	vmmov vm0;
	vm0 =	vmmov vm8;
	v29 =	vld [tilespmem:s18+$0xFFFFFFE0];
	[tilespmem:v7+s14+$0x0] =	vst.idx.msk vm9, v27  }
0xb0: {  	vm8 =	vmmov vm5;
	v24 =	vor.u32 $0x1, v7;
	v28 =	vld [tilespmem:s18+$0xFFFFFFF0];
	[tilespmem:v5+s14+$0x0] =	vst.idx.msk vm6, v1;
	v1 =	vimm.s32 $0x0  }
0xb1: {  	v21 =	vor.u32 $0x2, v7;
	v20 =	vor.u32 $0x3, v7;
	v27 =	vld [tilespmem:s18+$0x0];
	[tilespmem:v35+s14+$0x0] =	vst.idx.msk vm3, v26;
	v1 =	vsel vm0, $0xFFFFFFFF, v1  }
0xb2: {  	v22 =	vor.u32 $0x1, v35;
	v16 =	vor.u32 $0x2, v35;
	v15 =	vor.u32 $0x3, v35;
	v17 =	vld [tilespmem:s18+$0xFFFF7BD0];
	[tilespmem:$0x1FFD0] =	vst v1  }
0xb3: {  	v18 =	vor.u32 $0x1, v37;
	v14 =	vor.u32 $0x2, v5;
	v23 =	vor.u32 $0x1, v5;
	[tilespmem:v37+s14+$0x0] =	vst.idx.msk vm15, v31  }
0xb4: {  	v11 =	vor.u32 $0x3, v5;
	vm0 =	vmmov vm7;
	vm7 =	vgt.f32 v9, $1.000000010e-01;
	v5 =	vld [tilespmem:s18+$0xFFFF7BE0];
	[tilespmem:v30+s14+$0x0] =	vst.idx.msk vm12, v34  }
0xb5: {  	v1 =	vld [tilespmem:s18+$0xFFFF7BF0];
	v26 =	vsel vm7, $0x1, v0;
	vm5 =	vgt.f32 v28, $1.000000010e-01;
	[tilespmem:v25+s14+$0x0] =	vst.idx.msk vm1, v36;
	v25 =	vimm.s32 $0x0  }
0xb6: {  	v9 =	vld [tilespmem:s18+$0xFFFF7C00];
	vm1 =	vgt.f32 v27, $1.000000010e-01;
	(xrf0) =	vadd.scan.msk.s32 $0xffff, v26;
	v25 =	vsel vm5, $0xFFFFFFFF, v25;
	v26 =	vimm.s32 $0x0  }
0xb7: {  	v13 =	vor.u32 $0x2, v37;
	v7 =	vor.u32 $0x3, v37;
	v28 =	vld [tilespmem:s17+$0xFFFFA800];
	[tilespmem:$0x1FFE0] =	vst v25;
	v26 =	vsel vm1, $0xFFFFFFFF, v26  }
0xb8: {  	vm11 =	vmmov vm9;
	vm9 =	vmmov vm6;
	vm14 =	vgt.f32 v29, $1.000000010e-01;
	[tilespmem:$0x1FFF0] =	vst v26  }
0xb9: {  	vm12 =	vmmov vm12;
	vm7 =	vmmov vm7;
	v29 =	vsel vm14, $0x1, v0;
	s26 =	spop (v2sf);
	v26 =	vld [tilespmem:s17+$0xFFFFA7F0]  }
0xba: {  	v30 =	vsel vm1, $0x1, v0;
	v25 =	vsel vm5, $0x1, v0;
	s25 =	sadd.s32 s25, s26;
	(xrf0) =	vadd.scan.msk.s32 $0xffff, v29;
	vm5 =	vmmov vm15;
	s31 =	spop (v2sf);
	v27 =	vld [tilespmem:s17+$0xFFFFA7E0]  }
0xbb: {  	vm15 =	vmmov vm13;
	vm1 =	vmmov vm10;
	v29 =	vadd.s32 s25, v32;
	(xrf0) =	vadd.scan.msk.s32 $0xffff, v25;
	v25 =	vld [tilespmem:s20+$0x2C00];
	s26 =	sadd.s32 s25, s31;
	s28 =	spop (v2sf)  }
0xbc: {  	vm6 =	vmmov vm1;
	s25 =	simm.s32 $0x10;
	(xrf0) =	vadd.scan.msk.s32 $0xffff, v30;
	v31 =	vshll.u32 v29, $0x2;
	v30 =	vld [tilespmem:s21+$0x0];
	v29 =	vadd.s32 s26, v33;
	s26 =	sadd.s32 s26, s28;
	s28 =	spop (v2sf)  }
.LBB2_3:
0xbd: {  	_ =	sdelay $0x1  }
0xbe: {  	v19 =	vadd.s32 s26, v19;
	s31 =	sadd.s32 s26, s28;
	v32, _, _ =	vpop (xrf0)  }
0xbf: {  	v19 =	vshll.u32 v19, $0x2;
	[tilespmem:v24+s14+$0x0] =	vst.idx.msk vm11, v28;
	v28 =	vld [tilespmem:s21+$0xFFFFFFF0];
	v24 =	vadd.s32 s31, v32  }
0xc0: {  	[tilespmem:v22+s14+$0x0] =	vst.idx.msk vm4, v26;
	v22 =	vshll.u32 v24, $0x2;
	v24 =	vadd.s32 $0xFFFFFFFC, v19;
	v19 =	vld [tilespmem:$0x1FFC0];
	_ =	sdelay $0x4  }
0xc1: {  	vm1 =	vnez.u8 v19;
	_ =	sdelay $0x5  }
0xc2: {  	[tilespmem:v23+s14+$0x0] =	vst.idx.msk vm1, v27;
	v23 =	vld [tilespmem:$0x1FFD0];
	_ =	sdelay $0x3  }
0xc3: {  	v29 =	vshll.u32 v29, $0x2;
	v27 =	vld [tilespmem:s17+$0xFFFFD3F0]  }
0xc4: {  	[tilespmem:v18+s14+$0x0] =	vst.idx.msk vm5, v25;
	v18 =	vadd.s32 $0xFFFFFFFC, v29;
	v25 =	vld [tilespmem:s17+$0xFFFFD3E0];
	vm13 =	vnez.u8 v23  }
0xc5: {  	v34 =	vnsel vm13, $0x0, v18  }
0xc6: {  	v26 =	vld [tilespmem:s17+$0xFFFFD400];
	[tilespmem:v12+s14+$0x0] =	vst.idx.msk vm0, v30  }
0xc7: {  	[tilespmem:v10+s14+$0x0] =	vst.idx.msk vm2, v28;
	v36 =	vld [tilespmem:s21+$0xFFFFFFE0];
	s21 =	smov.u32 s17  }
0xc8: {  	s17 =	smov.u32 s19;
	s19 =	smov.u32 s18;
	s18 =	sadd.s32 $0x40, s18;
	[tilespmem:v16+s14+$0x0] =	vst.idx.msk vm4, v27  }
0xc9: {  	v27 =	vld [tilespmem:s18+$0xFFFFFFE0];
	[tilespmem:v14+s14+$0x0] =	vst.idx.msk vm9, v25  }
0xca: {  	vm0 =	vmmov vm10;
	v25 =	vld [tilespmem:s18+$0xFFFFFFF0];
	[tilespmem:v34+s14+$0x0] =	vst.idx.msk vm13, v2;
	v2 =	vmov v1;
	v1 =	vimm.s32 $0x0  }
0xcb: {  	(v2sf) =	vpush v32, $0xF;
	v62, _, _ =	vpop (xrf0);
	v35 =	vnsel vm8, $0x0, v24;
	v1 =	vsel vm0, $0xFFFFFFFF, v1  }
0xcc: {  	v31 =	vadd.s32 $0xFFFFFFFC, v31;
	(v2sf) =	vpush v62, $0xF;
	[tilespmem:$0x1FFC0] =	vst v1;
	v1 =	vld [tilespmem:$0x1FFE0]  }
0xcd: {  	vm3 =	vmmov vm14;
	v31 =	vnsel vm6, $0x0, v31;
	v33, _, _ =	vpop (xrf0);
	v22 =	vadd.s32 $0xFFFFFFFC, v22  }
0xce: {  	v40 =	vor.u32 $0x3, v31;
	(v2sf) =	vpush v33, $0xF;
	v30 =	vnsel vm7, $0x0, v22;
	v19, _, _ =	vpop (xrf0)  }
0xcf: {  	v29 =	vld [tilespmem:s20+$0x5800];
	v12 =	vmovc v20;
	v24 =	vor.u32 $0x1, v35;
	v20 =	vor.u32 $0x3, v35;
	[tilespmem:v21+s14+$0x0] =	vst.idx.msk vm11, v26;
	(v2sf) =	vpush v19, $0xF  }
0xd0: {  	s24 =	sadd.s32 $0x40, s24;
	v37 =	vld [tilespmem:s22+$0x8400];
	v38 =	vor.u32 $0x2, v30;
	v39 =	vor.u32 $0x3, v30;
	[tilespmem:v35+s14+$0x0] =	vst.idx.msk vm8, v3;
	v28 =	vor.u32 $0x2, v31  }
0xd1: {  	s22 =	smov.u32 s20;
	s20 =	smov.u32 s23;
	s23 =	sand.u32 $0x3FC0, s24;
	v21 =	vor.u32 $0x2, v35;
	vm1 =	vmmov vm14;
	v14 =	vmovc v28;
	v28 =	vld [tilespmem:s18+$0x0];
	vm0 =	vnez.u8 v1  }
0xd2: {  	v26 =	vld [tilespmem:s23+$0x8400];
	vm2 =	vmmov vm4;
	v1 =	vimm.s32 $0x0;
	vm10 =	vmmov vm0  }
0xd3: {  	v63 =	vld [tilespmem:s18+$0xFFFF7BD0];
	[tilespmem:v30+s14+$0x0] =	vst.idx.msk vm7, v17;
	v23 =	vor.u32 $0x1, v31;
	v18 =	vor.u32 $0x1, v30;
	v1 =	vsel vm10, $0xFFFFFFFF, v1  }
0xd4: {  	vm4 =	vmmov vm13;
	vm13 =	vmmov vm9;
	vm9 =	vmmov vm12;
	[tilespmem:$0x1FFD0] =	vst v1;
	v1 =	vld [tilespmem:$0x1FFF0]  }
0xd5: {  	v22 =	vor.u32 $0x1, v34;
	[tilespmem:v31+s14+$0x0] =	vst.idx.msk vm6, v8;
	v31 =	vimm.s32 $0x0;
	vm12 =	vgt.f32 v25, $1.000000010e-01  }
0xd6: {  	v16 =	vor.u32 $0x2, v34;
	v8 =	vmovc v5;
	v5 =	vld [tilespmem:s18+$0xFFFF7BE0];
	[tilespmem:v6+s14+$0x0] =	vst.idx.msk vm15, v36;
	vm15 =	vgt.f32 v28, $1.000000010e-01;
	v30 =	vsel vm12, $0xFFFFFFFF, v31  }
0xd7: {  	v10 =	vmovc v15;
	v15 =	vor.u32 $0x3, v34;
	v25 =	vsel vm15, $0x1, v0;
	[tilespmem:$0x1FFE0] =	vst v30;
	v30 =	vimm.s32 $0x0  }
0xd8: {  	s25 =	sadd.s32 $0x4, s25;
	v3 =	vmovc v9;
	v9 =	vld [tilespmem:s18+$0xFFFF7C00];
	[tilespmem:v13+s14+$0x0] =	vst.idx.msk vm5, v29;
	v29 =	vsel vm15, $0xFFFFFFFF, v30;
	vm15 =	vmmov vm13;
	vm0 =	vmmov vm11  }
0xd9: {  	p2 =	slt.u32 s25, $0x2BC;
	v28 =	vld [tilespmem:s17+$0xFFFFA800];
	vm11 =	vmmov vm8;
	vm10 =	vgt.f32 v26, $1.000000010e-01;
	vm14 =	vnez.u8 v1  }
.Ltmp3:
0xda: {  	s28 =	spop (v2sf);
	v13 =	vmovc v38;
	v6 =	vmovc v11;
	v30 =	vld [tilespmem:s21+$0x0];
	[tilespmem:v4+s14+$0x0] =	vst.idx.msk vm9, v37;
	v17 =	vsel vm10, $0x1, v0;
	vm8 =	vmmov vm14;
	vm14 =	vgt.f32 v27, $1.000000010e-01;
	(pc) =	sbr.rel @p2 .LBB2_3-.Ltmp3, $4  }
0xdb: {  	s26 =	sadd.s32 s31, s28;
	s28 =	spop (v2sf);
	v11 =	vmovc v40;
	vm9 =	vmmov vm6;
	vm6 =	vmmov vm1;
	(xrf0) =	vadd.scan.msk.s32 $0xffff, v17;
	v1 =	vld [tilespmem:s18+$0xFFFF7BF0];
	v26 =	vsel vm14, $0x1, v0  }
0xdc: {  	v4 =	vmovc v7;
	[tilespmem:$0x1FFF0] =	vst v29;
	v29 =	vadd.s32 s26, v62;
	s26 =	sadd.s32 s26, s28;
	v27 =	vsel vm12, $0x1, v0;
	(xrf0) =	vadd.scan.msk.s32 $0xffff, v26;
	v26 =	vld [tilespmem:s17+$0xFFFFA7F0]  }
0xdd: {  	v7 =	vmovc v39;
	s28 =	spop (v2sf);
	v31 =	vshll.u32 v29, $0x2;
	v29 =	vadd.s32 s26, v33;
	vm12 =	vmmov vm5;
	(xrf0) =	vadd.scan.msk.s32 $0xffff, v27;
	v27 =	vld [tilespmem:s17+$0xFFFFA7E0]  }
0xde: {  	s26 =	sadd.s32 s26, s28;
	s28 =	spop (v2sf);
	v17 =	vmovc v63;
	vm5 =	vmmov vm7;
	vm7 =	vmmov vm10;
	vm10 =	vmmov vm3;
	(xrf0) =	vadd.scan.msk.s32 $0xffff, v25;
	v25 =	vld [tilespmem:s20+$0x2C00]  }
0xdf: {  	_ =	sdelay $0x4  }
0xe0: {  	[tilespmem:v24+s14+$0x0] =	vst.idx.msk vm11, v28  }
0xe1: {  	v35 =	vld [tilespmem:$0x1FFC0];
	_ =	sdelay $0x3  }
0xe2: {  	v54 =	vadd.s32 $0xFFFFFFFC, v31  }
0xe3: {  	v28 =	vnsel vm6, $0x0, v54;
	vm1 =	vnez.u8 v35;
	_ =	sdelay $0x2  }
0xe4: {  	v53 =	vld [tilespmem:s21+$0xFFFFFFF0]  }
0xe5: {  	v58 =	vld [tilespmem:s21+$0xFFFFFFE0];
	[tilespmem:v12+s14+$0x0] =	vst.idx.msk vm0, v30  }
0xe6: {  	v59 =	vld [tilespmem:s22+$0x8400];
	[tilespmem:v28+s14+$0x0] =	vst.idx.msk vm6, v8  }
0xe7: {  	v55 =	vld [tilespmem:s17+$0xFFFFD400];
	[tilespmem:v23+s14+$0x0] =	vst.idx.msk vm1, v27;
	vm1 =	vmmov vm10  }
0xe8: {  	v60 =	vor.u32 $0x1, v28;
	[tilespmem:v22+s14+$0x0] =	vst.idx.msk vm4, v26;
	v62 =	vld [tilespmem:s19+$0xFFFFA7E0]  }
0xe9: {  	[tilespmem:v10+s14+$0x0] =	vst.idx.msk vm2, v53  }
0xea: {  	s24 =	sadd.s32 $0x40, s24;
	[tilespmem:v6+s14+$0x0] =	vst.idx.msk vm15, v58  }
0xeb: {  	s25 =	sand.u32 $0x3FC0, s24;
	[tilespmem:v4+s14+$0x0] =	vst.idx.msk vm12, v59  }
0xec: {  	s24 =	sadd.s32 $0x40, s18;
	v33 =	vld [tilespmem:s25+$0x8400];
	[tilespmem:v21+s14+$0x0] =	vst.idx.msk vm11, v55  }
0xed: {  	v32, _, _ =	vpop (xrf0);
	v34 =	vld [tilespmem:s24+$0xFFFFFFE0];
	[tilespmem:v60+s14+$0x0] =	vst.idx.msk vm1, v62  }
0xee: {  	v19 =	vadd.s32 s26, v19;
	(v2sf) =	vpush v32, $0xF;
	v57, _, _ =	vpop (xrf0);
	v8 =	vld [tilespmem:$0x1FFD0]  }
0xef: {  	s26 =	sadd.s32 s26, s28;
	v19 =	vshll.u32 v19, $0x2;
	(v2sf) =	vpush v57, $0xF;
	v30, _, _ =	vpop (xrf0)  }
0xf0: {  	v56 =	vld [tilespmem:s24+$0xFFFFFFF0];
	v37 =	vadd.s32 s26, v32;
	(v2sf) =	vpush v30, $0xF;
	vm11 =	vmmov vm11  }
0xf1: {  	v4 =	vshll.u32 v37, $0x2;
	v35 =	vadd.s32 $0xFFFFFFFC, v19;
	vm13 =	vgt.f32 v33, $1.000000010e-01;
	v33 =	vld [tilespmem:s17+$0x0]  }
0xf2: {  	v36 =	vld [tilespmem:s17+$0xFFFFD3F0];
	vm0 =	vgt.f32 v34, $1.000000010e-01;
	v34 =	vshll.u32 v29, $0x2;
	v12 =	vnsel vm8, $0x0, v35  }
0xf3: {  	v38, _, _ =	vpop (xrf0);
	v61 =	vsel vm13, $0x1, v0;
	v6 =	vadd.s32 $0xFFFFFFFC, v34;
	vm1 =	vnez.u8 v8  }
0xf4: {  	(v2sf) =	vpush v38, $0xF;
	v63 =	vsel vm0, $0x1, v0;
	(xrf0) =	vadd.scan.msk.s32 $0xffff, v61;
	v6 =	vnsel vm1, $0x0, v6  }
0xf5: {  	v4 =	vadd.s32 $0xFFFFFFFC, v4;
	(xrf0) =	vadd.scan.msk.s32 $0xffff, v63;
	v39 =	vld [tilespmem:s17+$0xFFFFD3E0];
	[tilespmem:v18+s14+$0x0] =	vst.idx.msk vm5, v25  }
0xf6: {  	v4 =	vnsel vm7, $0x0, v4;
	[tilespmem:v20+s14+$0x0] =	vst.idx.msk vm11, v33  }
0xf7: {  	vm12 =	vmmov vm4;
	vm10 =	vgt.f32 v56, $1.000000010e-01;
	[tilespmem:v16+s14+$0x0] =	vst.idx.msk vm4, v36;
	v18 =	vld [tilespmem:s20+$0x5800]  }
0xf8: {  	v26 =	vsel vm10, $0x1, v0;
	[tilespmem:v12+s14+$0x0] =	vst.idx.msk vm8, v3;
	vm8 =	vmmov vm8;
	v3 =	vld [tilespmem:s17+$0xFFFFFFF0]  }
0xf9: {  	v43 =	vor.u32 $0x1, v12;
	(xrf0) =	vadd.scan.msk.s32 $0xffff, v26;
	vm11 =	vmmov vm1;
	[tilespmem:v6+s14+$0x0] =	vst.idx.msk vm1, v2;
	v2 =	vld [tilespmem:s19+$0xFFFFA800]  }
0xfa: {  	v40, _, _ =	vpop (xrf0);
	[tilespmem:v14+s14+$0x0] =	vst.idx.msk vm9, v39;
	v45 =	vor.u32 $0x1, v6;
	vm1 =	vmmov vm9;
	v46 =	vld [tilespmem:s19+$0xFFFFA7F0]  }
0xfb: {  	v44 =	vor.u32 $0x1, v4;
	(v2sf) =	vpush v40, $0xF;
	v42, _, _ =	vpop (xrf0);
	[tilespmem:v4+s14+$0x0] =	vst.idx.msk vm7, v17;
	vm7 =	vmmov vm7;
	v49 =	vld [tilespmem:s17+$0xFFFFFFE0]  }
0xfc: {  	(v2sf) =	vpush v42, $0xF;
	vm4 =	vmmov vm14;
	vm14 =	vmmov vm5;
	v50 =	vld [tilespmem:s23+$0x2C00];
	[tilespmem:v13+s14+$0x0] =	vst.idx.msk vm5, v18  }
0xfd: {  	[tilespmem:v15+s14+$0x0] =	vst.idx.msk vm12, v3;
	v52 =	vld [tilespmem:s20+$0x8400]  }
0xfe: {  	[tilespmem:v43+s14+$0x0] =	vst.idx.msk vm8, v2  }
0xff: {  	v21, _, _ =	vpop (xrf0);
	[tilespmem:v45+s14+$0x0] =	vst.idx.msk vm11, v46  }
0x100: {  	s28 =	spop (v2sf);
	(v2sf) =	vpush v21, $0xF;
	[tilespmem:v11+s14+$0x0] =	vst.idx.msk vm1, v49  }
0x101: {  	v47 =	vor.u32 $0x2, v28;
	s21 =	sadd.s32 s26, s28;
	s29 =	spop (v2sf);
	v11 =	vld [tilespmem:$0x1FFE0];
	[tilespmem:v44+s14+$0x0] =	vst.idx.msk vm7, v50  }
0x102: {  	v41 =	vld [tilespmem:s24+$0x0];
	vm15 =	vmmov vm6;
	v53 =	vor.u32 $0x2, v12;
	v48 =	vadd.s32 s21, v57;
	s30 =	spop (v2sf);
	s17 =	sadd.s32 s21, s29;
	[tilespmem:v7+s14+$0x0] =	vst.idx.msk vm14, v52  }
0x103: {  	v54 =	vor.u32 $0x2, v4;
	vm3 =	vmmov vm4;
	v17 =	vshll.u32 v48, $0x2;
	s31 =	spop (v2sf);
	s20 =	sadd.s32 s17, s30;
	v7 =	vld [tilespmem:$0x1FFF0]  }
0x104: {  	v59 =	vld [tilespmem:s19+$0xFFFFD3E0];
	v57 =	vor.u32 $0x3, v28;
	v3 =	vadd.s32 $0xFFFFFFFC, v17;
	v10 =	vadd.s32 s20, v38;
	s22 =	sadd.s32 s20, s31  }
0x105: {  	v10 =	vshll.u32 v10, $0x2;
	v24 =	vadd.s32 s22, v40;
	v2 =	vnsel vm3, $0x0, v3  }
0x106: {  	v51 =	vor.u32 $0x2, v6;
	v10 =	vadd.s32 $0xFFFFFFFC, v10;
	v15 =	vshll.u32 v24, $0x2;
	v56 =	vld [tilespmem:s19+$0xFFFFD400]  }
0x107: {  	v28 =	vadd.s32 $0xFFFFFFFC, v15;
	v58 =	vld [tilespmem:s19+$0xFFFFD3F0];
	vm14 =	vmmov vm13;
	vm5 =	vnez.u8 v11  }
0x108: {  	v13 =	vld [tilespmem:s23+$0x5800];
	vm2 =	vmmov vm5;
	vm5 =	vgt.f32 v41, $1.000000010e-01;
	vm6 =	vnez.u8 v7  }
0x109: {  	v38 =	vld [tilespmem:s24+$0xFFFF7BD0];
	[tilespmem:v47+s14+$0x0] =	vst.idx.msk vm15, v59;
	v14 =	vnsel vm14, $0x0, v28;
	vm12 =	vmmov vm6;
	v60 =	vsel vm5, $0x1, v0  }
0x10a: {  	vm9 =	vmmov vm15;
	s26 =	spop (v2sf);
	[tilespmem:v2+s14+$0x0] =	vst.idx.msk vm4, v5;
	(xrf0) =	vadd.scan.msk.s32 $0xffff, v60;
	v61 =	vnsel vm12, $0x0, v10  }
0x10b: {  	v55 =	vor.u32 $0x3, v12;
	v4 =	vor.u32 $0x3, v4;
	v62 =	vadd.s32 s17, v30;
	s17 =	sadd.s32 s22, s26;
	s28 =	spop (v2sf);
	v29 =	vld [tilespmem:s19+$0xFFFFFFE0];
	[tilespmem:v53+s14+$0x0] =	vst.idx.msk vm8, v56  }
0x10c: {  	v30 =	vadd.s32 s17, v42;
	s29 =	sadd.s32 s17, s28;
	v63 =	vor.u32 $0x1, v2;
	v23 =	vld [tilespmem:s18+$0xFFFFA7E0];
	[tilespmem:v51+s14+$0x0] =	vst.idx.msk vm11, v58;
	vm11 =	vmmov vm11  }
0x10d: {  	v37 =	vadd.s32 s29, v21;
	v3 =	vor.u32 $0x3, v6;
	vm8 =	vmmov vm8;
	v27 =	vld [tilespmem:s19+$0xFFFFFFF0];
	[tilespmem:v54+s14+$0x0] =	vst.idx.msk vm7, v13  }
0x10e: {  	vm15 =	vmmov vm0;
	v5 =	vshll.u32 v62, $0x2;
	v25 =	vld [tilespmem:s19+$0x0];
	vm7 =	vmmov vm7;
	[tilespmem:v14+s14+$0x0] =	vst.idx.msk vm14, v38  }
0x10f: {  	s30 =	spop (v2sf);
	vm13 =	vmmov vm14;
	v5 =	vadd.s32 $0xFFFFFFFC, v5;
	v31 =	vld [tilespmem:s23+$0x8400];
	vm6 =	vmmov vm12;
	[tilespmem:v61+s14+$0x0] =	vst.idx.msk vm12, v9  }
0x110: {  	s17 =	sadd.s32 s29, s30;
	v5 =	vnsel vm2, $0x0, v5;
	[tilespmem:v57+s14+$0x0] =	vst.idx.msk vm9, v29;
	v33 =	vor.u32 $0x1, v61;
	v9 =	vshll.u32 v30, $0x2;
	v32, _, _ =	vpop (xrf0);
	v34 =	vld [tilespmem:s18+$0xFFFFA800]  }
0x111: {  	[tilespmem:v63+s14+$0x0] =	vst.idx.msk vm4, v23;
	vm4 =	vmmov vm15;
	v35 =	vadd.s32 $0xFFFFFFFC, v9;
	v36 =	vadd.s32 s17, v32  }
0x112: {  	v46 =	vor.u32 $0x1, v14;
	[tilespmem:v3+s14+$0x0] =	vst.idx.msk vm11, v27;
	v3 =	vld [tilespmem:s24+$0xFFFF7BE0];
	v6 =	vnsel vm4, $0x0, v35;
	v9 =	vshll.u32 v36, $0x2  }
0x113: {  	v47 =	vld [tilespmem:s25+$0x2C00];
	v10 =	vshll.u32 v37, $0x2;
	[tilespmem:v55+s14+$0x0] =	vst.idx.msk vm8, v25;
	vm8 =	vmmov vm5;
	v9 =	vadd.s32 $0xFFFFFFFC, v9  }
0x114: {  	v39 =	vld [tilespmem:s24+$0xFFFF7C00];
	v10 =	vadd.s32 $0xFFFFFFFC, v10;
	[tilespmem:v4+s14+$0x0] =	vst.idx.msk vm7, v31;
	vm7 =	vmmov vm10;
	v9 =	vnsel vm8, $0x0, v9  }
0x115: {  	v40 =	vld [tilespmem:s24+$0xFFFF7BF0];
	v41 =	vnsel vm7, $0x0, v10;
	[tilespmem:v33+s14+$0x0] =	vst.idx.msk vm6, v34  }
0x116: {  	v42 =	vor.u32 $0x2, v61;
	vm5 =	vmmov vm2;
	[tilespmem:v5+s14+$0x0] =	vst.idx.msk vm2, v1;
	v1 =	vld [tilespmem:s18+$0xFFFFD400]  }
0x117: {  	v43 =	vor.u32 $0x1, v5;
	v44 =	vld [tilespmem:s18+$0xFFFFA7F0];
	vm12 =	vmmov vm0;
	[tilespmem:v6+s14+$0x0] =	vst.idx.msk vm4, v3  }
0x118: {  	vm3 =	vmmov vm3;
	[tilespmem:v46+s14+$0x0] =	vst.idx.msk vm13, v47;
	v3 =	vor.u32 $0x1, v6;
	v45 =	vld [tilespmem:s24+$0xFFFFA7E0]  }
0x119: {  	v52 =	vor.u32 $0x2, v2;
	v53 =	vld [tilespmem:s18+$0xFFFFD3E0];
	[tilespmem:v9+s14+$0x0] =	vst.idx.msk vm8, v39  }
0x11a: {  	[tilespmem:v41+s14+$0x0] =	vst.idx.msk vm10, v40;
	v48 =	vor.u32 $0x1, v9;
	v49 =	vld [tilespmem:s24+$0xFFFFA800]  }
0x11b: {  	v50 =	vor.u32 $0x1, v41;
	[tilespmem:v42+s14+$0x0] =	vst.idx.msk vm6, v1;
	v1 =	vld [tilespmem:s24+$0xFFFFA7F0]  }
0x11c: {  	v54 =	vor.u32 $0x2, v14;
	v55 =	vld [tilespmem:s25+$0x5800];
	(v2sf) =	vpush v32, $0xF;
	[tilespmem:v43+s14+$0x0] =	vst.idx.msk vm5, v44  }
0x11d: {  	v51 =	vld [tilespmem:s18+$0xFFFFD3F0];
	[tilespmem:v3+s14+$0x0] =	vst.idx.msk vm12, v45;
	v3 =	vor.u32 $0x2, v5  }
0x11e: {  	[tilespmem:v52+s14+$0x0] =	vst.idx.msk vm3, v53;
	vm3 =	vmmov vm3  }
0x11f: {  	v2 =	vor.u32 $0x3, v2;
	v13 =	vld [tilespmem:s18+$0xFFFFFFE0];
	[tilespmem:v48+s14+$0x0] =	vst.idx.msk vm8, v49  }
0x120: {  	v56 =	vor.u32 $0x2, v9;
	[tilespmem:v50+s14+$0x0] =	vst.idx.msk vm7, v1;
	v1 =	vld [tilespmem:s24+$0xFFFFD400]  }
0x121: {  	v57 =	vor.u32 $0x2, v41;
	[tilespmem:v54+s14+$0x0] =	vst.idx.msk vm13, v55;
	vm4 =	vmmov vm4;
	v58 =	vld [tilespmem:s24+$0xFFFFD3F0]  }
0x122: {  	vm0 =	vmmov vm13;
	v59 =	vor.u32 $0x2, v6;
	[tilespmem:v3+s14+$0x0] =	vst.idx.msk vm5, v51;
	v3 =	vld [tilespmem:s24+$0xFFFFD3E0]  }
0x123: {  	v14 =	vor.u32 $0x3, v14;
	v60 =	vld [tilespmem:s25+$0x8400];
	vm6 =	vmmov vm6  }
0x124: {  	v7 =	vor.u32 $0x3, v61;
	vm14 =	vmmov vm8;
	[tilespmem:v2+s14+$0x0] =	vst.idx.msk vm3, v13;
	v10 =	vld [tilespmem:s18+$0x0];
	vm5 =	vmmov vm5  }
0x125: {  	vm2 =	vmmov vm14;
	vm15 =	vmmov vm7;
	v5 =	vor.u32 $0x3, v5;
	v11 =	vld [tilespmem:s18+$0xFFFFFFF0];
	[tilespmem:v56+s14+$0x0] =	vst.idx.msk vm8, v1  }
0x126: {  	vm1 =	vmmov vm15;
	v1 =	vor.u32 $0x3, v9;
	[tilespmem:v57+s14+$0x0] =	vst.idx.msk vm7, v58;
	v4 =	vld [tilespmem:s24+$0x0]  }
0x127: {  	v61 =	vor.u32 $0x3, v41;
	[tilespmem:v59+s14+$0x0] =	vst.idx.msk vm4, v3;
	vm4 =	vmmov vm4;
	v3 =	vld [tilespmem:s24+$0xFFFFFFF0]  }
0x128: {  	v62 =	vor.u32 $0x3, v6;
	[tilespmem:v14+s14+$0x0] =	vst.idx.msk vm0, v60;
	v63 =	vld [tilespmem:s24+$0xFFFFFFE0]  }
0x129: {  	[tilespmem:v7+s14+$0x0] =	vst.idx.msk vm6, v10  }
0x12a: {  	[tilespmem:v5+s14+$0x0] =	vst.idx.msk vm5, v11  }
0x12b: {  	s31 =	spop (v2sf);
	[tilespmem:v1+s14+$0x0] =	vst.idx.msk vm2, v4  }
0x12c: {  	s17 =	sadd.s32 s17, s31;
	[tilespmem:v61+s14+$0x0] =	vst.idx.msk vm1, v3  }
0x12d: {  	v1 =	vmov s17;
	[tilespmem:v62+s14+$0x0] =	vst.idx.msk vm4, v63  }
0x12e: {  	[tilespmem:$0x16000] =	vst v1  }
0x12f: {  	[hbm4b:s5+s11] =	stream.strided.scatter [tilespmem:s14], [sflag:$0x1], $0xB000, s12, s11, $0x38;
	[tilespmem:$0x16080] =	vst v63  }
0x130: {  	_ =	swait.ge [sflag:s13], $0xB000  }
0x131: {  	[sflag:s13] =	ssyncset.done $0x0  }
0x132: {  	[sflag:s13] =	ssyncadd.s32 $0xFFFF5000  }
0x133: {  	[hbm4b:s6+s2] =	stream.linear.scatter [tilespmem:s15], [sflag:$0x1], $0x80, $0x38;
	[tilespmem:$0x16080] =	vst v63  }
0x134: {  	_ =	swait.ge [sflag:s13], $0x80  }
0x135: {  	[sflag:s13] =	ssyncset.done $0x0  }
0x136: {  	[sflag:s13] =	ssyncadd.s32 $0xFFFFFF80  }
.LBB2_5:
.Ltmp4:
0x137: {  	(pc) =	sbr.rel @p1 .LBB2_9-.Ltmp4, $1  }
0x138: {  	_ =	sdelay $0x3  }
0x139: {  	s19 =	simm.s32 $0x0  }
0x13a: {  	[tilespmem:s19], [sflag:$0x1] =	stream.strided.gather [hbm4b:s7+s11], $0x2000, s12, s11, $0x38;
	[tilespmem:$0x16080] =	vst v63  }
0x13b: {  	_ =	swait.ge [sflag:s13], $0x2000  }
0x13c: {  	[sflag:s13] =	ssyncset.done $0x0  }
0x13d: {  	[sflag:s13] =	ssyncadd.s32 $0xFFFFE000  }
0x13e: {  	[tilespmem:s14], [sflag:$0x1] =	stream.linear.gather [hbm4b:s3+s19], $0x2000, $0x38;
	[tilespmem:$0x16080] =	vst v63  }
0x13f: {  	_ =	swait.ge [sflag:s13], $0x2000  }
0x140: {  	[sflag:s13] =	ssyncset.done $0x0  }
0x141: {  	s18 =	sand.u32 $0x7C0, s19;
	[sflag:s13] =	ssyncadd.s32 $0xFFFFE000  }
0x142: {  	s20 =	simm.s32 $0x1830;
	v1 =	vld [tilespmem:s18+$0x1800]  }
0x143: {  	v2 =	vld [tilespmem:s20+$0xFFFFFFE0]  }
0x144: {  	v3 =	vld [tilespmem:s20+$0xFFFFFFF0]  }
0x145: {  	v4 =	vld [tilespmem:s20+$0x0];
	_ =	sdelay $0x1  }
0x146: {  	vm1 =	vgt.f32 v1, $1.000000010e-01  }
0x147: {  	vm2 =	vgt.f32 v2, $1.000000010e-01;
	v1 =	vsel vm1, $0x1, v0  }
0x148: {  	vm0 =	vgt.f32 v3, $1.000000010e-01;
	(xrf0) =	vadd.scan.msk.s32 $0xffff, v1;
	v1 =	vsel vm2, $0x1, v0  }
0x149: {  	vm3 =	vgt.f32 v4, $1.000000010e-01;
	v2 =	vsel vm0, $0x1, v0;
	(xrf0) =	vadd.scan.msk.s32 $0xffff, v1  }
0x14a: {  	v1 =	vsel vm3, $0x1, v0;
	(xrf0) =	vadd.scan.msk.s32 $0xffff, v2  }
0x14b: {  	(xrf0) =	vadd.scan.msk.s32 $0xffff, v1;
	_ =	sdelay $0x2  }
0x14c: {  	v1, _, _ =	vpop (xrf0)  }
0x14d: {  	(v2sf) =	vpush v1, $0xF;
	v2, _, _ =	vpop (xrf0)  }
0x14e: {  	(v2sf) =	vpush v2, $0xF;
	v3, _, _ =	vpop (xrf0)  }
0x14f: {  	(v2sf) =	vpush v3, $0xF;
	v4, _, _ =	vpop (xrf0)  }
0x150: {  	s17 =	simm.s32 $0x40;
	(v2sf) =	vpush v4, $0xF  }
0x151: {  	s22 =	sand.u32 $0x7C0, s17  }
0x152: {  	s17 =	simm.s32 $0x1870;
	v5 =	vld [tilespmem:s22+$0x1800]  }
0x153: {  	v6 =	vld [tilespmem:s17+$0xFFFFFFE0]  }
0x154: {  	v8 =	vld [tilespmem:s17+$0x0];
	_ =	sdelay $0x1  }
0x155: {  	v7 =	vld [tilespmem:s17+$0xFFFFFFF0]  }
0x156: {  	v9 =	vmov s19  }
0x157: {  	v9 =	vadd.s32 $0xFFFFFFFF, v9;
	vm4 =	vgt.f32 v5, $1.000000010e-01  }
0x158: {  	v5 =	vbroadcast v9, $0x0;
	vm9 =	vgt.f32 v6, $1.000000010e-01;
	vm7 =	vgt.f32 v8, $1.000000010e-01  }
0x159: {  	v9 =	vsel vm4, $0x1, v0;
	vm5 =	vmmov vm1;
	v6 =	vsel vm9, $0x1, v0  }
0x15a: {  	vm1 =	vgt.f32 v7, $1.000000010e-01;
	vm8 =	vmmov vm3;
	vm6 =	vmmov vm0;
	(xrf0) =	vadd.scan.msk.s32 $0xffff, v9  }
0x15b: {  	vm4 =	vmmov vm4;
	v1 =	vadd.s32 v1, v5;
	v5 =	vsel vm1, $0x1, v0;
	(xrf0) =	vadd.scan.msk.s32 $0xffff, v6;
	s23 =	spop (v2sf)  }
0x15c: {  	v8 =	vld [tilespmem:s20+$0xFFFFE7D0];
	vm14 =	vmmov vm9;
	v6 =	vnsel vm5, $0x0, v1;
	v1 =	vsel vm7, $0x1, v0;
	(xrf0) =	vadd.scan.msk.s32 $0xffff, v5;
	s19 =	sadd.s32 $0x0, s23;
	s21 =	spop (v2sf)  }
0x15d: {  	vm2 =	vmmov vm2;
	vm0 =	vmmov vm5;
	(xrf0) =	vadd.scan.msk.s32 $0xffff, v1;
	v1 =	vmov s19;
	s19 =	sadd.s32 s19, s21;
	s24 =	spop (v2sf)  }
0x15e: {  	v5 =	vadd.s32 $0x800, v6;
	v1 =	vadd.s32 $0xFFFFFFFF, v1;
	v11 =	vmov s19;
	s19 =	sadd.s32 s19, s24;
	s25 =	spop (v2sf)  }
0x15f: {  	v10 =	vld [tilespmem:s20+$0xFFFFE7E0];
	v7 =	vadd.s32 $0x1000, v6;
	v26 =	vadd.s32 $0x1800, v6;
	v12 =	vbroadcast v1, $0x0;
	s23 =	sadd.s32 s19, s25  }
0x160: {  	v15 =	vld [tilespmem:s20+$0xFFFFE7F0];
	v11 =	vadd.s32 $0xFFFFFFFF, v11;
	v1 =	vmov s19;
	v13 =	vmov s23  }
0x161: {  	v18 =	vld [tilespmem:s20+$0xFFFFE800];
	v9, _, _ =	vpop (xrf0);
	[tilespmem:v6+s14+$0x0] =	vst.idx.msk vm5, v8;
	v1 =	vadd.s32 $0xFFFFFFFF, v1;
	v8 =	vbroadcast v11, $0x0;
	v13 =	vadd.s32 $0xFFFFFFFF, v13  }
0x162: {  	s26 =	simm.s32 $0x80;
	v16, _, _ =	vpop (xrf0);
	(v2sf) =	vpush v9, $0xF;
	s19 =	simm.s32 $0x18B0;
	v11 =	vld [tilespmem:s18+$0x800];
	v14 =	vbroadcast v1, $0x0;
	v6 =	vbroadcast v13, $0x0  }
0x163: {  	vm8 =	vmmov vm8;
	vm3 =	vmmov vm2;
	v17, _, _ =	vpop (xrf0);
	(v2sf) =	vpush v16, $0xF;
	s21 =	sand.u32 $0x7C0, s26;
	v21 =	vld [tilespmem:s19+$0xFFFFFFE0]  }
0x164: {  	(v2sf) =	vpush v17, $0xF;
	v4 =	vadd.s32 v4, v14;
	v6 =	vadd.s32 v9, v6;
	v9 =	vld [tilespmem:s21+$0x1800]  }
0x165: {  	v19 =	vld [tilespmem:s17+$0xFFFFE7D0];
	v20, _, _ =	vpop (xrf0);
	v2 =	vadd.s32 v2, v12;
	v3 =	vadd.s32 v3, v8;
	v8 =	vnsel vm8, $0x0, v4  }
0x166: {  	v31 =	vld [tilespmem:s17+$0xFFFFE7F0];
	vm11 =	vmmov vm7;
	(v2sf) =	vpush v20, $0xF;
	v12 =	vnsel vm3, $0x0, v2  }
0x167: {  	v34 =	vld [tilespmem:s17+$0xFFFFE800];
	vm7 =	vmmov vm6;
	v3 =	vnsel vm6, $0x0, v3;
	v23 =	vadd.s32 $0x800, v12  }
0x168: {  	v25 =	vld [tilespmem:s19+$0xFFFFFFF0];
	v33 =	vadd.s32 $0x1000, v12;
	v24 =	vadd.s32 $0x800, v3;
	v28 =	vadd.s32 $0x1000, v3  }
0x169: {  	v30 =	vld [tilespmem:s19+$0x0];
	[tilespmem:v5+s14+$0x0] =	vst.idx.msk vm0, v11;
	vm5 =	vgt.f32 v21, $1.000000010e-01;
	vm13 =	vgt.f32 v9, $1.000000010e-01;
	v9 =	vimm.s32 $0x0  }
0x16a: {  	v1 =	vld [tilespmem:s17+$0xFFFFE7E0];
	v4 =	vadd.s32 $0x1800, v12;
	v6 =	vnsel vm4, $0x0, v6;
	[tilespmem:v8+s14+$0x0] =	vst.idx.msk vm8, v18;
	v9 =	vsel vm5, $0xFFFFFFFF, v9  }
0x16b: {  	v14 =	vadd.s32 $0x1800, v3;
	v22 =	vadd.s32 $0x800, v8;
	v29 =	vadd.s32 $0x1000, v8;
	v5 =	vld [tilespmem:s18+$0x1000];
	[tilespmem:$0x1FFB0] =	vst v9  }
0x16c: {  	v13 =	vadd.s32 $0x1800, v8;
	v27 =	vadd.s32 $0x800, v6;
	v32 =	vadd.s32 $0x1000, v6;
	v35 =	vld [tilespmem:s19+$0xFFFFE7D0]  }
0x16d: {  	v2 =	vadd.s32 $0x1800, v6;
	vm8 =	vmmov vm8;
	v8 =	vsel vm13, $0x1, v0;
	[tilespmem:v3+s14+$0x0] =	vst.idx.msk vm6, v15;
	v9 =	vld [tilespmem:s19+$0xFFFFE7E0]  }
0x16e: {  	(xrf0) =	vadd.scan.msk.s32 $0xffff, v8;
	v3 =	vsel vm5, $0x1, v0;
	vm5 =	vgt.f32 v25, $1.000000010e-01;
	[tilespmem:v12+s14+$0x0] =	vst.idx.msk vm3, v10;
	v10 =	vld [tilespmem:s20+$0xFFFFF000]  }
0x16f: {  	[tilespmem:v6+s14+$0x0] =	vst.idx.msk vm4, v19;
	v12 =	vimm.s32 $0x0;
	v8 =	vsel vm5, $0x1, v0;
	(xrf0) =	vadd.scan.msk.s32 $0xffff, v3;
	v6 =	vld [tilespmem:s20+$0xFFFFEFE0]  }
0x170: {  	v12 =	vsel vm14, $0xFFFFFFFF, v12;
	(xrf0) =	vadd.scan.msk.s32 $0xffff, v8;
	v8 =	vld [tilespmem:s20+$0xFFFFEFF0]  }
0x171: {  	vm10 =	vmmov vm1;
	vm12 =	vgt.f32 v30, $1.000000010e-01;
	s24 =	spop (v2sf);
	v11 =	vld [tilespmem:s22+$0x800];
	[tilespmem:$0x1FF80] =	vst v12  }
0x172: {  	vm15 =	vmmov vm0;
	s23 =	sadd.s32 s23, s24;
	vm6 =	vmmov vm4;
	v3 =	vsel vm12, $0x1, v0;
	[tilespmem:v7+s14+$0x0] =	vst.idx.msk vm0, v5  }
0x173: {  	vm1 =	vmmov vm13;
	s29 =	spop (v2sf);
	(xrf0) =	vadd.scan.msk.s32 $0xffff, v3;
	v3 =	vmov s23;
	v5 =	vld [tilespmem:s19+$0xFFFFE800];
	[tilespmem:v22+s14+$0x0] =	vst.idx.msk vm8, v10  }
0x174: {  	s30 =	spop (v2sf);
	s23 =	sadd.s32 s23, s29;
	vm0 =	vmmov vm12;
	v12 =	vadd.s32 $0xFFFFFFFF, v3;
	v3 =	vld [tilespmem:s19+$0xFFFFE7F0];
	[tilespmem:v23+s14+$0x0] =	vst.idx.msk vm2, v6;
	v23 =	vimm.s32 $0x0  }
0x175: {  	vm13 =	vmmov vm3;
	s31 =	spop (v2sf);
	v15 =	vmov s23;
	s23 =	sadd.s32 s23, s30;
	[tilespmem:v24+s14+$0x0] =	vst.idx.msk vm7, v8;
	v8 =	vld [tilespmem:s20+$0xFFFFF800];
	v23 =	vsel vm0, $0xFFFFFFFF, v23  }
0x176: {  	v12 =	vbroadcast v12, $0x0;
	v18 =	vadd.s32 $0xFFFFFFFF, v15;
	s26 =	sadd.s32 s23, s31;
	v15 =	vmov s23;
	v6 =	vld [tilespmem:s20+$0xFFFFF7F0];
	[tilespmem:$0x1FF90] =	vst v23  }
0x177: {  	vm4 =	vmmov vm14;
	v10 =	vmov s26;
	v19 =	vadd.s32 $0xFFFFFFFF, v15;
	v30 =	vld [tilespmem:s20+$0xFFFFF7E0]  }
0x178: {  	s24 =	simm.s32 $0xC0;
	v10 =	vadd.s32 $0xFFFFFFFF, v10;
	v21 =	vbroadcast v19, $0x0;
	v12 =	vadd.s32 v16, v12;
	[tilespmem:v27+s14+$0x0] =	vst.idx.msk vm6, v11  }
0x179: {  	v7, _, _ =	vpop (xrf0);
	s23 =	sand.u32 $0x7C0, s24;
	v10 =	vbroadcast v10, $0x0;
	v37 =	vnsel vm4, $0x0, v12;
	v11 =	vbroadcast v18, $0x0;
	v36 =	vld [tilespmem:s22+$0x1000]  }
0x17a: {  	vm9 =	vmmov vm11;
	(v2sf) =	vpush v7, $0xF;
	v16 =	vadd.s32 v20, v21;
	[tilespmem:v29+s14+$0x0] =	vst.idx.msk vm8, v8;
	v29 =	vld [tilespmem:s23+$0x1800]  }
0x17b: {  	v38 =	vld [tilespmem:s18+$0x1800];
	s18 =	simm.s32 $0x18F0;
	v7 =	vadd.s32 v7, v10;
	v10 =	vadd.s32 v17, v11;
	v17 =	vnsel vm9, $0x0, v16  }
0x17c: {  	v22, _, _ =	vpop (xrf0);
	v7 =	vnsel vm1, $0x0, v7;
	[tilespmem:v33+s14+$0x0] =	vst.idx.msk vm13, v30;
	v30 =	vld [tilespmem:s18+$0xFFFFFFF0]  }
0x17d: {  	(v2sf) =	vpush v22, $0xF;
	v39 =	vnsel vm10, $0x0, v10;
	[tilespmem:v28+s14+$0x0] =	vst.idx.msk vm7, v6;
	v28 =	vld [tilespmem:s18+$0xFFFFFFE0]  }
0x17e: {  	[tilespmem:v37+s14+$0x0] =	vst.idx.msk vm4, v1  }
0x17f: {  	vm3 =	vmmov vm13;
	v63 =	vld [tilespmem:s18+$0x0];
	v27 =	vadd.s32 $0x800, v17;
	[tilespmem:v32+s14+$0x0] =	vst.idx.msk vm6, v36;
	vm13 =	vgt.f32 v29, $1.000000010e-01  }
0x180: {  	v21 =	vadd.s32 $0x800, v7;
	v23 =	vadd.s32 $0x1000, v17;
	v6 =	vld [tilespmem:s18+$0xFFFFE7E0];
	[tilespmem:v17+s14+$0x0] =	vst.idx.msk vm9, v34;
	v29 =	vsel vm13, $0x1, v0  }
0x181: {  	v1 =	vld [tilespmem:s18+$0xFFFFE7F0];
	[tilespmem:v7+s14+$0x0] =	vst.idx.msk vm1, v35;
	vm2 =	vgt.f32 v30, $1.000000010e-01;
	(xrf0) =	vadd.scan.msk.s32 $0xffff, v29;
	v29 =	vimm.s32 $0x0  }
0x182: {  	v20 =	vadd.s32 $0x1800, v17;
	v17 =	vld [tilespmem:s18+$0xFFFFE7D0];
	[tilespmem:v39+s14+$0x0] =	vst.idx.msk vm10, v31;
	vm0 =	vgt.f32 v28, $1.000000010e-01;
	v29 =	vsel vm2, $0xFFFFFFFF, v29  }
0x183: {  	v11 =	vadd.s32 $0x1000, v7;
	v8 =	vadd.s32 $0x1800, v7;
	v7 =	vld [tilespmem:s18+$0xFFFFE800];
	v28 =	vsel vm0, $0x1, v0;
	[tilespmem:$0x1FFA0] =	vst v29  }
0x184: {  	(xrf0) =	vadd.scan.msk.s32 $0xffff, v28;
	v29 =	vsel vm2, $0x1, v0;
	[tilespmem:v26+s14+$0x0] =	vst.idx.msk vm15, v38;
	vm15 =	vgt.f32 v63, $1.000000010e-01  }
0x185: {  	v15, _, _ =	vpop (xrf0);
	(xrf0) =	vadd.scan.msk.s32 $0xffff, v29;
	v30 =	vsel vm15, $0x1, v0  }
0x186: {  	vm5 =	vmmov vm5;
	v19, _, _ =	vpop (xrf0);
	(xrf0) =	vadd.scan.msk.s32 $0xffff, v30;
	v30 =	vld [tilespmem:$0x1FFB0]  }
0x187: {  	vm14 =	vmmov vm8;
	vm11 =	vmmov vm6;
	(v2sf) =	vpush v15, $0xF  }
0x188: {  	vm12 =	vmmov vm7;
	v25 =	vadd.s32 $0x800, v37;
	(v2sf) =	vpush v19, $0xF  }
0x189: {  	v16 =	vadd.s32 $0x1000, v37;
	v10 =	vadd.s32 $0x1800, v37;
	v24 =	vadd.s32 $0x800, v39  }
0x18a: {  	v18 =	vadd.s32 $0x1000, v39;
	v12 =	vadd.s32 $0x1800, v39;
	vm7 =	vmmov vm10;
	v28 =	vld [tilespmem:s17+$0xFFFFF000]  }
0x18b: {  	vm10 =	vmmov vm9;
	vm9 =	vmmov vm1;
	s28 =	spop (v2sf);
	v26 =	vld [tilespmem:s17+$0xFFFFEFF0];
	vm1 =	vnez.u8 v30  }
0x18c: {  	s25 =	simm.s32 $0x10;
	vm8 =	vmmov vm13;
	s26 =	sadd.s32 s26, s28;
	v29 =	vld [tilespmem:s17+$0xFFFFEFE0];
	s28 =	spop (v2sf);
	vm2 =	vmmov vm1;
	vm13 =	vmmov vm1  }
.LBB2_7:
0x18d: {  	v49 =	vld [tilespmem:$0x1FF90];
	_ =	sdelay $0x1  }
0x18e: {  	v30 =	vimm.s32 $0x0;
	vm6 =	vmmov vm2;
	v53 =	vld [tilespmem:$0x1FF80]  }
0x18f: {  	vm1 =	vmmov vm3;
	v32 =	vimm.s32 $0x0;
	vm2 =	vmmov vm0  }
0x190: {  	v38 =	vimm.s32 $0x0;
	v30 =	vsel vm11, $0xFFFFFFFF, v30;
	vm11 =	vmmov vm4  }
0x191: {  	vm4 =	vmmov vm13;
	vm13 =	vmmov vm0;
	vm0 =	vnez.u8 v49  }
0x192: {  	v32 =	vsel vm1, $0xFFFFFFFF, v32;
	[tilespmem:$0x1FF70] =	vst v30;
	v30 =	vld [tilespmem:s21+$0x800];
	vm1 =	vmmov vm0;
	vm0 =	vmmov vm15  }
0x193: {  	v35 =	vsel vm0, $0xFFFFFFFF, v38;
	vm0 =	vnez.u8 v53  }
0x194: {  	s31 =	sadd.s32 s26, s28  }
0x195: {  	v33 =	vld [tilespmem:s20+$0x0];
	[tilespmem:v27+s14+$0x0] =	vst.idx.msk vm10, v28;
	v50 =	vmov s31  }
0x196: {  	[tilespmem:$0x1FF60] =	vst v32;
	v32 =	vadd.s32 $0xFFFFFFFF, v50  }
0x197: {  	[tilespmem:v21+s14+$0x0] =	vst.idx.msk vm9, v30;
	v21 =	vbroadcast v32, $0x0  }
0x198: {  	v27 =	vld [tilespmem:s20+$0xFFFFFFF0];
	[tilespmem:v24+s14+$0x0] =	vst.idx.msk vm7, v26  }
0x199: {  	s28 =	spop (v2sf);
	v21 =	vadd.s32 v15, v21;
	[tilespmem:v25+s14+$0x0] =	vst.idx.msk vm0, v29;
	v29 =	vld [tilespmem:s17+$0xFFFFF7F0]  }
0x19a: {  	v31 =	vmov s26;
	s26 =	sadd.s32 s31, s28;
	v24 =	vld [tilespmem:s17+$0xFFFFF800];
	v57 =	vnsel vm5, $0x0, v21  }
0x19b: {  	v34, _, _ =	vpop (xrf0);
	s28 =	spop (v2sf);
	v51 =	vmov s26;
	v54 =	vld [tilespmem:s21+$0x1000]  }
0x19c: {  	v31 =	vadd.s32 $0xFFFFFFFF, v31;
	(v2sf) =	vpush v34, $0xF;
	v36, _, _ =	vpop (xrf0);
	s26 =	sadd.s32 s26, s28;
	[tilespmem:$0x1FF90] =	vst v35;
	v35 =	vadd.s32 $0xFFFFFFFF, v51;
	v58 =	vld [tilespmem:s22+$0x1800]  }
0x19d: {  	s24 =	sadd.s32 $0x40, s24;
	(v2sf) =	vpush v36, $0xF;
	v28, _, _ =	vpop (xrf0);
	v37 =	vmov s26;
	v35 =	vbroadcast v35, $0x0;
	[tilespmem:v14+s14+$0x0] =	vst.idx.msk vm12, v27;
	v55 =	vld [tilespmem:s20+$0xFFFFFFE0];
	s20 =	smov.u32 s17  }
0x19e: {  	v31 =	vbroadcast v31, $0x0;
	(v2sf) =	vpush v28, $0xF;
	v52 =	vadd.s32 $0xFFFFFFFF, v37;
	v30 =	vld [tilespmem:s17+$0xFFFFF7E0];
	s17 =	smov.u32 s19;
	s19 =	smov.u32 s18;
	s18 =	sadd.s32 $0x40, s18;
	[tilespmem:v18+s14+$0x0] =	vst.idx.msk vm7, v29  }
0x19f: {  	s22 =	smov.u32 s21;
	s21 =	smov.u32 s23;
	s23 =	sand.u32 $0x7C0, s24;
	v19 =	vadd.s32 v19, v35;
	vm0 =	vmmov vm6;
	v29 =	vld [tilespmem:s18+$0xFFFFFFF0];
	[tilespmem:v57+s14+$0x0] =	vst.idx.msk vm5, v3;
	v3 =	vmovc v1;
	v1 =	vimm.s32 $0x0  }
0x1a0: {  	v26, _, _ =	vpop (xrf0);
	v15 =	vmov v28;
	v28 =	vld [tilespmem:s23+$0x1800];
	v25 =	vbroadcast v52, $0x0;
	v1 =	vsel vm0, $0xFFFFFFFF, v1  }
0x1a1: {  	(v2sf) =	vpush v26, $0xF;
	[tilespmem:$0x1FF80] =	vst v1;
	v1 =	vld [tilespmem:$0x1FFA0]  }
0x1a2: {  	v39 =	vadd.s32 v22, v31;
	v31 =	vnsel vm1, $0x0, v19;
	v19 =	vmovc v26;
	v40 =	vadd.s32 v34, v25;
	v26 =	vld [tilespmem:s18+$0xFFFFFFE0]  }
0x1a3: {  	[tilespmem:v13+s14+$0x0] =	vst.idx.msk vm14, v33;
	v34 =	vnsel vm8, $0x0, v40  }
0x1a4: {  	[tilespmem:v23+s14+$0x0] =	vst.idx.msk vm10, v24;
	v27 =	vadd.s32 $0x800, v31  }
0x1a5: {  	v13 =	vmovc v20;
	v23 =	vadd.s32 $0x1000, v31;
	[tilespmem:v11+s14+$0x0] =	vst.idx.msk vm9, v54;
	v20 =	vadd.s32 $0x1800, v31;
	vm6 =	vgt.f32 v28, $1.000000010e-01  }
0x1a6: {  	vm12 =	vmmov vm7;
	v28 =	vsel vm6, $0x1, v0;
	[tilespmem:v16+s14+$0x0] =	vst.idx.msk vm11, v30;
	v30 =	vld [tilespmem:s18+$0x0];
	vm0 =	vnez.u8 v1  }
0x1a7: {  	vm7 =	vmmov vm5;
	[tilespmem:v31+s14+$0x0] =	vst.idx.msk vm1, v5;
	v31 =	vld [tilespmem:s18+$0xFFFFE7D0];
	vm5 =	vmmov vm0;
	vm0 =	vgt.f32 v26, $1.000000010e-01  }
0x1a8: {  	(xrf0) =	vadd.scan.msk.s32 $0xffff, v28;
	[tilespmem:v34+s14+$0x0] =	vst.idx.msk vm8, v17;
	v26 =	vld [tilespmem:$0x1FF60];
	v17 =	vsel vm0, $0x1, v0  }
0x1a9: {  	(xrf0) =	vadd.scan.msk.s32 $0xffff, v17;
	v17 =	vld [tilespmem:$0x1FF70];
	_ =	sdelay $0x1  }
0x1aa: {  	v56 =	vnsel vm4, $0x0, v39  }
0x1ab: {  	v61 =	vimm.s32 $0x0;
	vm3 =	vmmov vm11;
	vm14 =	vmmov vm10  }
0x1ac: {  	vm10 =	vmmov vm1;
	vm1 =	vgt.f32 v29, $1.000000010e-01;
	vm11 =	vnez.u8 v26  }
0x1ad: {  	s25 =	sadd.s32 $0x4, s25;
	v62 =	vsel vm1, $0xFFFFFFFF, v61;
	v63 =	vsel vm1, $0x1, v0;
	vm1 =	vnez.u8 v17  }
0x1ae: {  	p2 =	slt.u32 s25, $0x7C;
	v60 =	vadd.s32 $0x1800, v56;
	v24 =	vadd.s32 $0x800, v57;
	v14 =	vmovc v12;
	v12 =	vadd.s32 $0x1800, v57;
	v5 =	vmovc v7;
	v7 =	vld [tilespmem:s18+$0xFFFFE800]  }
.Ltmp5:
0x1af: {  	v25 =	vadd.s32 $0x800, v56;
	v21 =	vadd.s32 $0x800, v34;
	v11 =	vadd.s32 $0x1000, v34;
	[tilespmem:v56+s14+$0x0] =	vst.idx.msk vm4, v9;
	v28 =	vld [tilespmem:s17+$0xFFFFF000];
	(pc) =	sbr.rel @p2 .LBB2_7-.Ltmp5, $4  }
0x1b0: {  	v59 =	vadd.s32 $0x1800, v34;
	v18 =	vadd.s32 $0x1000, v57;
	v9 =	vmovc v6;
	v6 =	vld [tilespmem:s18+$0xFFFFE7E0];
	vm15 =	vgt.f32 v30, $1.000000010e-01  }
0x1b1: {  	v22 =	vmovc v36;
	v16 =	vadd.s32 $0x1000, v56;
	v29 =	vsel vm15, $0x1, v0;
	v1 =	vld [tilespmem:s18+$0xFFFFE7F0];
	[tilespmem:$0x1FFA0] =	vst v62;
	(xrf0) =	vadd.scan.msk.s32 $0xffff, v63  }
0x1b2: {  	s28 =	spop (v2sf);
	(xrf0) =	vadd.scan.msk.s32 $0xffff, v29;
	v26 =	vld [tilespmem:s17+$0xFFFFEFF0];
	v17 =	vmovc v31;
	[tilespmem:v4+s14+$0x0] =	vst.idx.msk vm11, v55;
	v4 =	vmov v10;
	v10 =	vmov v60  }
0x1b3: {  	s26 =	sadd.s32 s26, s28;
	s28 =	spop (v2sf);
	vm11 =	vmmov vm9;
	vm9 =	vmmov vm8;
	vm8 =	vmmov vm6;
	v29 =	vld [tilespmem:s17+$0xFFFFEFE0];
	[tilespmem:v2+s14+$0x0] =	vst.idx.msk vm1, v58;
	v2 =	vmovc v8;
	v8 =	vmovc v59  }
.Ltmp6:
0x1b4: {  	_ = 	snop;
	(pc) =	sbr.rel .LBB2_8-.Ltmp6, $1  }
0x1b5: {  	_ =	sdelay $0x3  }
.LBB2_10:
0x1b6: {  	_ =	sfence.sel $0x180000  }
0x1b7: {  	[bflag:$0x0] =	sbarrier.arrive $0xFFFF  }
0x1b8: {  	p0 =	sne.s32 s1, $0x0;
	_ =	strace $0x90000047  }
0x1b9: {  	s0 =	sadd.s32 @!p0 $0x100000, s0;
	[bflag:$0x2] =	sbarrier.arrive $0xFFFF  }
0x1ba: {  	[sflag:s0] =	ssyncadd.tile.s32 @!p0 $0x1;
	_ =	shalt  }
.Lfunc_end2:
_tile_overlayer_lowered:
.L_overlay_start_2:
0x1bb: {  	(tag) =	ssettag $0x2  }
0x1bc: {  	s0 =	rddreg [dreg:$0x0];
	s2 =	stileid.u32  }
0x1bd: {  	s1 =	rddreg [dreg:$0x1];
	p0 =	sne.s32 s2, $0x0  }
0x1be: {  	s3 =	rddreg [dreg:$0x2];
	[bflag:$0x3] =	sbarrier.arrive $0xFFFF;
	s2 =	simm.s32 @!p0 $0x1C02  }
0x1bf: {  	[timem:s3], [sflag:s2] =	dma.local @!p0 [hbm:s0], s1  }
0x1c0: {  	s0 =	simm.s32 @!p0 $0x2  }
0x1c1: {  	_ =	swait.ge @!p0 [sflag:s0], s1  }
0x1c2: {  	s1 =	ssub.s32 @!p0 $0x0, s1;
	[sflag:s0] =	ssyncset.done @!p0 $0x0  }
0x1c3: {  	[sflag:s0] =	ssyncadd.s32 @!p0 s1  }
0x1c4: {  	[bflag:$0x3] =	sbarrier.arrive $0xFFFF  }
0x1c5: {  	_ =	shalt  }

</sc_bundles>
